<compile_context>
chip_gen: v7x
topology: tpu7x:2x2x1
jax: 0.10.2.dev20260603
libtpu: 0.0.44.dev20260713+nightly
codegen_flags: <defaults>
</compile_context>

<pallas_src>
import jax
import jax.numpy as jnp
from jax import lax
from jax.experimental import pallas as pl
from jax.experimental.pallas import tpu as pltpu
from jax.experimental.pallas import tpu_sc as plsc

_B = 128
_V = 100000
_NC = 2
_NS = 16
_NW = _NC * _NS
_L = 16
_LG = _B // _L
_VT = _V // 8
_TTC = 7700
_TSC = _VT - _TTC
_TPW = _TSC // _NW
_CW = 15
_NCH = _TPW // _CW
_NPAIR = _NCH // 2

_mesh = plsc.VectorSubcoreMesh(core_axis_name="c", subcore_axis_name="s",
                               num_cores=_NC, num_subcores=_NS)
_cparams = pltpu.CompilerParams(use_tc_tiling_on_sc=True)


def _acc_chunk(a_buf, g_buf, row_v_unused, scale, accs, ntiles=_CW):
    def body(i, accs):
        t = lax.shift_right_logical(i, 3)
        s = lax.bitwise_and(i, 7)
        accs = list(accs)
        for lg in range(_LG):
            e = jnp.exp(a_buf[t, s, pl.ds(lg * _L, _L)] * scale
                        + g_buf[t, s, pl.ds(lg * _L, _L)])
            accs[lg] = accs[lg] + e
        return tuple(accs)

    return plsc.parallel_loop(0, ntiles * 8, 1, unroll=2,
                              carry=tuple(accs))(body)


def _phase_a_body(logits_hbm, scale_hbm, noise_hbm, part_hbm,
                  a0_v, a1_v, g0_v, g1_v, s_v, sp_v,
                  a0_sem, a1_sem, g0_sem, g1_sem):
    wid = lax.axis_index("s") * _NC + lax.axis_index("c")
    t0 = _TTC + _TPW * wid
    pltpu.sync_copy(scale_hbm, s_v)
    scale = s_v[...]

    def in_copies(c, a_buf, a_sem, g_buf, g_sem):
        src = pl.ds(t0 + c * _CW, _CW)
        return (pltpu.make_async_copy(logits_hbm.at[src], a_buf, a_sem),
                pltpu.make_async_copy(noise_hbm.at[src], g_buf, g_sem))

    a0, g0 = in_copies(0, a0_v, a0_sem, g0_v, g0_sem)
    a0.start()
    g0.start()

    def pair(j, accs):
        c = 2 * j
        a1, g1 = in_copies(c + 1, a1_v, a1_sem, g1_v, g1_sem)
        a1.start()
        g1.start()
        ac, gc = in_copies(c, a0_v, a0_sem, g0_v, g0_sem)
        ac.wait()
        gc.wait()
        accs = _acc_chunk(a0_v, g0_v, None, scale, accs)

        @pl.when(c + 2 < _NCH)
        def _():
            an, gn = in_copies(c + 2, a0_v, a0_sem, g0_v, g0_sem)
            an.start()
            gn.start()

        a1w, g1w = in_copies(c + 1, a1_v, a1_sem, g1_v, g1_sem)
        a1w.wait()
        g1w.wait()
        return _acc_chunk(a1_v, g1_v, None, scale, accs)

    zeros = tuple(jnp.zeros((_L,), jnp.float32) for _ in range(_LG))
    accs = lax.fori_loop(0, _NPAIR, pair, zeros)

    for r in range(8):
        for lg in range(_LG):
            sp_v[r, pl.ds(lg * _L, _L)] = accs[lg]
    pltpu.sync_copy(sp_v, part_hbm.at[pl.ds(wid * 8, 8)])


def _chunk_vmem():
    return pltpu.VMEM((_CW, 8, _B), jnp.float32)


_phase_a = pl.kernel(
    _phase_a_body,
    out_type=jax.ShapeDtypeStruct((_NW * 8, _B), jnp.float32),
    mesh=_mesh,
    compiler_params=_cparams,
    scratch_types=[
        _chunk_vmem(), _chunk_vmem(),
        _chunk_vmem(), _chunk_vmem(),
        pltpu.VMEM((_L,), jnp.float32),
        pltpu.VMEM((8, _B), jnp.float32),
        pltpu.SemaphoreType.DMA,
        pltpu.SemaphoreType.DMA,
        pltpu.SemaphoreType.DMA,
        pltpu.SemaphoreType.DMA,
    ],
)

_CTA = 385
_TGA = _TTC // _CTA


def _tc_a_body(scale_ref, a_ref, g_ref, o_ref):
    @pl.when(pl.program_id(0) == 0)
    def _():
        o_ref[...] = jnp.zeros_like(o_ref)

    y = a_ref[...] * scale_ref[0, 0] + g_ref[...]
    o_ref[...] += jnp.sum(jnp.exp(y), axis=0)


_tc_a = pl.pallas_call(
    _tc_a_body,
    grid=(_TGA,),
    in_specs=[
        pl.BlockSpec(memory_space=pltpu.SMEM),
        pl.BlockSpec((_CTA, 8, _B), lambda i: (i, 0, 0)),
        pl.BlockSpec((_CTA, 8, _B), lambda i: (i, 0, 0)),
    ],
    out_specs=pl.BlockSpec((8, _B), lambda i: (0, 0)),
    out_shape=jax.ShapeDtypeStruct((8, _B), jnp.float32),
)

_CT = 625
_TGRID = _VT // _CT


def _tc_b_body(ps_ref, pt_ref, scale_ref, a_ref, g_ref, o_ref):
    tot = jnp.sum(ps_ref[...], axis=0) * 0.125 + jnp.sum(pt_ref[...], axis=0)
    r = (1.0 / tot)[None, None, :]
    y = a_ref[...] * scale_ref[0, 0] + g_ref[...]
    o_ref[...] = jnp.exp(y) * r


_tc_b = pl.pallas_call(
    _tc_b_body,
    grid=(_TGRID,),
    in_specs=[
        pl.BlockSpec((_NW * 8, _B), lambda i: (0, 0)),
        pl.BlockSpec((8, _B), lambda i: (0, 0)),
        pl.BlockSpec(memory_space=pltpu.SMEM),
        pl.BlockSpec((_CT, 8, _B), lambda i: (i, 0, 0)),
        pl.BlockSpec((_CT, 8, _B), lambda i: (i, 0, 0)),
    ],
    out_specs=pl.BlockSpec((_CT, 8, _B), lambda i: (i, 0, 0)),
    out_shape=jax.ShapeDtypeStruct((_VT, 8, _B), jnp.float32),
)


def kernel(logits, temperature, gumbel_noise):
    scale16 = jnp.broadcast_to(jnp.exp(temperature), (_L,)).astype(jnp.float32)
    scale11 = jnp.exp(temperature).astype(jnp.float32).reshape(1, 1)
    lt = logits.T.reshape(_VT, 8, _B)
    gt = gumbel_noise.T.reshape(_VT, 8, _B)
    part_sc = _phase_a(lt, scale16, gt)
    part_tc = _tc_a(scale11, lt, gt)
    out = _tc_b(part_sc, part_tc, scale11, lt, gt)
    return out.reshape(_V, _B).T

# --- scband reference (transcript-rebuilt; emitter-appended) ---
"""Pipeline reference for scband-gumbel-softmax-39281770889237 (READ-ONLY COPY).

The authoritative reference and input builder live on the scoring server;
editing this copy changes nothing except your own understanding.
"""

import jax, jax.numpy as jnp
import numpy as np

TAU = 1.0
EPS = 1e-10
B = 128
V = 100000


def setup_inputs(seed: int = 0) -> dict:
    key = jax.random.key(seed)
    k1, k2 = jax.random.split(key)
    logits = jax.random.normal(k1, (B, V), dtype=jnp.float32)
    # learnable temperature parameter, initialized to 0.0 as in the torch module
    temperature = jnp.array(0.0, dtype=jnp.float32)
    # pre-sampled standard Gumbel noise (torch F.gumbel_softmax samples this internally)
    u = jax.random.uniform(k2, (B, V), dtype=jnp.float32, minval=1e-20, maxval=1.0)
    gumbel_noise = -jnp.log(-jnp.log(u))
    return {"logits": logits, "temperature": temperature, "gumbel_noise": gumbel_noise}


def reference(logits, temperature, gumbel_noise):
    # training-mode path: F.gumbel_softmax(logits * temperature.exp(), tau=1.0, hard=False, dim=-1)
    scaled = logits * jnp.exp(temperature)
    y = (scaled + gumbel_noise) / TAU
    return jax.nn.softmax(y, axis=-1)

if __name__ == "__main__":
    import jax
    _d = setup_inputs()
    print(jax.jit(kernel)(*tuple(_d.values())))

</pallas_src>

<mosaic_0001>
#map = affine_map<(d0, d1) -> (0, 0, 0)>
#map1 = affine_map<(d0, d1) -> (0)>
#map2 = affine_map<(d0, d1) -> (0, 0)>
module attributes {stable_mosaic.version = 14 : i64} {
  func.func @_phase_a_body(%arg0: i32, %arg1: i32, %arg2: memref<12500x8x128xf32, #tpu.memory_space<hbm>>, %arg3: memref<16xf32, #tpu.memory_space<hbm>>, %arg4: memref<12500x8x128xf32, #tpu.memory_space<hbm>>, %arg5: memref<256x128xf32, #tpu.memory_space<hbm>>, %arg6: memref<15x8x128xf32, #tpu.memory_space<vmem>>, %arg7: memref<15x8x128xf32, #tpu.memory_space<vmem>>, %arg8: memref<15x8x128xf32, #tpu.memory_space<vmem>>, %arg9: memref<15x8x128xf32, #tpu.memory_space<vmem>>, %arg10: memref<16xf32, #tpu.memory_space<vmem>>, %arg11: memref<8x128xf32, #tpu.memory_space<vmem>>, %arg12: memref<!tpu.dma_semaphore, #tpu.memory_space<semaphore_mem>>, %arg13: memref<!tpu.dma_semaphore, #tpu.memory_space<semaphore_mem>>, %arg14: memref<!tpu.dma_semaphore, #tpu.memory_space<semaphore_mem>>, %arg15: memref<!tpu.dma_semaphore, #tpu.memory_space<semaphore_mem>>) attributes {dimension_semantics = [#tpu.dimension_semantics<core_parallel>, #tpu.dimension_semantics<subcore_parallel>], iteration_bounds = array<i64: 2, 16>, scalar_prefetch = 0 : i64, scratch_operands = 10 : i64, tpu.core_type = #tpu.core_type<sc_vector_subcore>, window_params = [{transform_indices = #map}, {transform_indices = #map1}, {transform_indices = #map}, {transform_indices = #map2}]} {
    %mul3A = arith.constant 2 : i32
    %mul3A_0 = arith.muli %arg1, %mul3A : i32
    %add3A = arith.addi %mul3A_0, %arg0 : i32
    %mul3A_1 = arith.constant 150 : i32
    %mul3A_2 = arith.muli %mul3A_1, %add3A : i32
    %add3A_3 = arith.constant 7700 : i32
    %add3A_4 = arith.addi %add3A_3, %mul3A_2 : i32
    "tpu.region"() ({
      %run_scoped3A = tpu.sem_alloc : memref<!tpu.dma_semaphore, #tpu.memory_space<semaphore_mem>>
      tpu.enqueue_dma source(%arg3 : memref<16xf32, #tpu.memory_space<hbm>>) target(%arg10 : memref<16xf32, #tpu.memory_space<vmem>>) target_semaphore(%run_scoped3A : memref<!tpu.dma_semaphore, #tpu.memory_space<semaphore_mem>>)
      tpu.wait_dma2 semaphore(%run_scoped3A : memref<!tpu.dma_semaphore, #tpu.memory_space<semaphore_mem>>) src(%arg3 : memref<16xf32, #tpu.memory_space<hbm>>) dst(%arg10 : memref<16xf32, #tpu.memory_space<vmem>>)
      tpu.yield
    }) : () -> ()
    %get3A = arith.constant 0 : index
    %get3A_5 = tpu.vector_load %arg10[%get3A] {strides = array<i32>} : memref<16xf32, #tpu.memory_space<vmem>>, vector<16xf32>,
    %get3A_6 = vector.shape_cast %get3A_5 : vector<16xf32> to vector<16xf32>
    %add3A_7 = arith.constant 0 : i32
    %add3A_8 = arith.addi %add3A_4, %add3A_7 : i32
    %dma_start3A = arith.constant 0 : i32
    %dma_start3A_9 = arith.constant 0 : i32
    %dma_start3A_10 = tpu.memref_slice %arg2[%add3A_8, %dma_start3A, %dma_start3A_9] : memref<12500x8x128xf32, #tpu.memory_space<hbm>> -> memref<15x8x128xf32, #tpu.memory_space<hbm>>
    %dma_start3A_11 = arith.constant 0 : i32
    %dma_start3A_12 = arith.constant 0 : i32
    %dma_start3A_13 = tpu.memref_slice %arg2[%add3A_8, %dma_start3A_11, %dma_start3A_12] : memref<12500x8x128xf32, #tpu.memory_space<hbm>> -> memref<15x8x128xf32, #tpu.memory_space<hbm>>
    tpu.enqueue_dma source(%dma_start3A_13 : memref<15x8x128xf32, #tpu.memory_space<hbm>>) target(%arg6 : memref<15x8x128xf32, #tpu.memory_space<vmem>>) target_semaphore(%arg12 : memref<!tpu.dma_semaphore, #tpu.memory_space<semaphore_mem>>)
    %dma_start3A_14 = arith.constant 0 : i32
    %dma_start3A_15 = arith.constant 0 : i32
    %dma_start3A_16 = tpu.memref_slice %arg4[%add3A_8, %dma_start3A_14, %dma_start3A_15] : memref<12500x8x128xf32, #tpu.memory_space<hbm>> -> memref<15x8x128xf32, #tpu.memory_space<hbm>>
    %dma_start3A_17 = arith.constant 0 : i32
    %dma_start3A_18 = arith.constant 0 : i32
    %dma_start3A_19 = tpu.memref_slice %arg4[%add3A_8, %dma_start3A_17, %dma_start3A_18] : memref<12500x8x128xf32, #tpu.memory_space<hbm>> -> memref<15x8x128xf32, #tpu.memory_space<hbm>>
    tpu.enqueue_dma source(%dma_start3A_19 : memref<15x8x128xf32, #tpu.memory_space<hbm>>) target(%arg8 : memref<15x8x128xf32, #tpu.memory_space<vmem>>) target_semaphore(%arg14 : memref<!tpu.dma_semaphore, #tpu.memory_space<semaphore_mem>>)
    %broadcast_in_dim3A = arith.constant 0.000000e+00 : f32
    %broadcast_in_dim3A_20 = vector.broadcast %broadcast_in_dim3A : f32 to vector<16xf32>
    %broadcast_in_dim3A_21 = arith.constant 0.000000e+00 : f32
    %broadcast_in_dim3A_22 = vector.broadcast %broadcast_in_dim3A_21 : f32 to vector<16xf32>
    %broadcast_in_dim3A_23 = arith.constant 0.000000e+00 : f32
    %broadcast_in_dim3A_24 = vector.broadcast %broadcast_in_dim3A_23 : f32 to vector<16xf32>
    %broadcast_in_dim3A_25 = arith.constant 0.000000e+00 : f32
    %broadcast_in_dim3A_26 = vector.broadcast %broadcast_in_dim3A_25 : f32 to vector<16xf32>
    %broadcast_in_dim3A_27 = arith.constant 0.000000e+00 : f32
    %broadcast_in_dim3A_28 = vector.broadcast %broadcast_in_dim3A_27 : f32 to vector<16xf32>
    %broadcast_in_dim3A_29 = arith.constant 0.000000e+00 : f32
    %broadcast_in_dim3A_30 = vector.broadcast %broadcast_in_dim3A_29 : f32 to vector<16xf32>
    %broadcast_in_dim3A_31 = arith.constant 0.000000e+00 : f32
    %broadcast_in_dim3A_32 = vector.broadcast %broadcast_in_dim3A_31 : f32 to vector<16xf32>
    %broadcast_in_dim3A_33 = arith.constant 0.000000e+00 : f32
    %broadcast_in_dim3A_34 = vector.broadcast %broadcast_in_dim3A_33 : f32 to vector<16xf32>
    %scan3A = arith.constant 0 : i32
    %scan3A_35 = arith.constant 5 : i32
    %scan3A_36 = arith.addi %scan3A, %scan3A_35 : i32
    %scan3A_37 = arith.constant 1 : i32
    %scan3A_38:8 = scf.for %scan3A_425 = %scan3A to %scan3A_36 step %scan3A_37 iter_args(%scan3A_426 = %broadcast_in_dim3A_20, %scan3A_427 = %broadcast_in_dim3A_22, %scan3A_428 = %broadcast_in_dim3A_24, %scan3A_429 = %broadcast_in_dim3A_26, %scan3A_430 = %broadcast_in_dim3A_28, %scan3A_431 = %broadcast_in_dim3A_30, %scan3A_432 = %broadcast_in_dim3A_32, %scan3A_433 = %broadcast_in_dim3A_34) -> (vector<16xf32>, vector<16xf32>, vector<16xf32>, vector<16xf32>, vector<16xf32>, vector<16xf32>, vector<16xf32>, vector<16xf32>)  : i32 {
      %mul3A_434 = arith.constant 2 : i32
      %mul3A_435 = arith.muli %mul3A_434, %scan3A_425 : i32
      %add3A_436 = arith.constant 1 : i32
      %add3A_437 = arith.addi %mul3A_435, %add3A_436 : i32
      %mul3A_438 = arith.constant 15 : i32
      %mul3A_439 = arith.muli %add3A_437, %mul3A_438 : i32
      %add3A_440 = arith.addi %add3A_4, %mul3A_439 : i32
      %dma_start3A_441 = arith.constant 0 : i32
      %dma_start3A_442 = arith.constant 0 : i32
      %dma_start3A_443 = tpu.memref_slice %arg2[%add3A_440, %dma_start3A_441, %dma_start3A_442] : memref<12500x8x128xf32, #tpu.memory_space<hbm>> -> memref<15x8x128xf32, #tpu.memory_space<hbm>>
      %dma_start3A_444 = arith.constant 0 : i32
      %dma_start3A_445 = arith.constant 0 : i32
      %dma_start3A_446 = tpu.memref_slice %arg2[%add3A_440, %dma_start3A_444, %dma_start3A_445] : memref<12500x8x128xf32, #tpu.memory_space<hbm>> -> memref<15x8x128xf32, #tpu.memory_space<hbm>>
      tpu.enqueue_dma source(%dma_start3A_446 : memref<15x8x128xf32, #tpu.memory_space<hbm>>) target(%arg7 : memref<15x8x128xf32, #tpu.memory_space<vmem>>) target_semaphore(%arg13 : memref<!tpu.dma_semaphore, #tpu.memory_space<semaphore_mem>>)
      %dma_start3A_447 = arith.constant 0 : i32
      %dma_start3A_448 = arith.constant 0 : i32
      %dma_start3A_449 = tpu.memref_slice %arg4[%add3A_440, %dma_start3A_447, %dma_start3A_448] : memref<12500x8x128xf32, #tpu.memory_space<hbm>> -> memref<15x8x128xf32, #tpu.memory_space<hbm>>
      %dma_start3A_450 = arith.constant 0 : i32
      %dma_start3A_451 = arith.constant 0 : i32
      %dma_start3A_452 = tpu.memref_slice %arg4[%add3A_440, %dma_start3A_450, %dma_start3A_451] : memref<12500x8x128xf32, #tpu.memory_space<hbm>> -> memref<15x8x128xf32, #tpu.memory_space<hbm>>
      tpu.enqueue_dma source(%dma_start3A_452 : memref<15x8x128xf32, #tpu.memory_space<hbm>>) target(%arg9 : memref<15x8x128xf32, #tpu.memory_space<vmem>>) target_semaphore(%arg15 : memref<!tpu.dma_semaphore, #tpu.memory_space<semaphore_mem>>)
      %mul3A_453 = arith.constant 15 : i32
      %mul3A_454 = arith.muli %mul3A_435, %mul3A_453 : i32
      %add3A_455 = arith.addi %add3A_4, %mul3A_454 : i32
      %dma_wait3A = arith.constant 0 : i32
      %dma_wait3A_456 = arith.constant 0 : i32
      %dma_wait3A_457 = tpu.memref_slice %arg2[%add3A_455, %dma_wait3A, %dma_wait3A_456] : memref<12500x8x128xf32, #tpu.memory_space<hbm>> -> memref<15x8x128xf32, #tpu.memory_space<hbm>>
      %dma_wait3A_458 = arith.constant 0 : i32
      %dma_wait3A_459 = arith.constant 0 : i32
      %dma_wait3A_460 = tpu.memref_slice %arg2[%add3A_455, %dma_wait3A_458, %dma_wait3A_459] : memref<12500x8x128xf32, #tpu.memory_space<hbm>> -> memref<15x8x128xf32, #tpu.memory_space<hbm>>
      tpu.wait_dma2 semaphore(%arg12 : memref<!tpu.dma_semaphore, #tpu.memory_space<semaphore_mem>>) src(%dma_wait3A_460 : memref<15x8x128xf32, #tpu.memory_space<hbm>>) dst(%arg6 : memref<15x8x128xf32, #tpu.memory_space<vmem>>)
      %dma_wait3A_461 = arith.constant 0 : i32
      %dma_wait3A_462 = arith.constant 0 : i32
      %dma_wait3A_463 = tpu.memref_slice %arg4[%add3A_455, %dma_wait3A_461, %dma_wait3A_462] : memref<12500x8x128xf32, #tpu.memory_space<hbm>> -> memref<15x8x128xf32, #tpu.memory_space<hbm>>
      %dma_wait3A_464 = arith.constant 0 : i32
      %dma_wait3A_465 = arith.constant 0 : i32
      %dma_wait3A_466 = tpu.memref_slice %arg4[%add3A_455, %dma_wait3A_464, %dma_wait3A_465] : memref<12500x8x128xf32, #tpu.memory_space<hbm>> -> memref<15x8x128xf32, #tpu.memory_space<hbm>>
      tpu.wait_dma2 semaphore(%arg14 : memref<!tpu.dma_semaphore, #tpu.memory_space<semaphore_mem>>) src(%dma_wait3A_466 : memref<15x8x128xf32, #tpu.memory_space<hbm>>) dst(%arg8 : memref<15x8x128xf32, #tpu.memory_space<vmem>>)
      %parallel_loop3A = arith.constant 0 : i32
      %parallel_loop3A_467 = arith.constant 120 : i32
      %parallel_loop3A_468 = arith.constant 1 : i32
      %parallel_loop3A_469:8 = scf.for %parallel_loop3A_495 = %parallel_loop3A to %parallel_loop3A_467 step %parallel_loop3A_468 iter_args(%parallel_loop3A_496 = %scan3A_426, %parallel_loop3A_497 = %scan3A_427, %parallel_loop3A_498 = %scan3A_428, %parallel_loop3A_499 = %scan3A_429, %parallel_loop3A_500 = %scan3A_430, %parallel_loop3A_501 = %scan3A_431, %parallel_loop3A_502 = %scan3A_432, %parallel_loop3A_503 = %scan3A_433) -> (vector<16xf32>, vector<16xf32>, vector<16xf32>, vector<16xf32>, vector<16xf32>, vector<16xf32>, vector<16xf32>, vector<16xf32>)  : i32 {
        %parallel_loop3A_504 = arith.constant 3 : i32
        %parallel_loop3A_505 = arith.shrui %parallel_loop3A_495, %parallel_loop3A_504 : i32
        %parallel_loop3A_506 = arith.constant 7 : i32
        %parallel_loop3A_507 = arith.andi %parallel_loop3A_495, %parallel_loop3A_506 : i32
        %parallel_loop3A_508 = arith.index_cast %parallel_loop3A_505 : i32 to index
        %parallel_loop3A_509 = arith.index_cast %parallel_loop3A_507 : i32 to index
        %parallel_loop3A_510 = arith.constant 0 : index
        %parallel_loop3A_511 = tpu.vector_load %arg6[%parallel_loop3A_508, %parallel_loop3A_509, %parallel_loop3A_510] {strides = array<i32>} : memref<15x8x128xf32, #tpu.memory_space<vmem>>, vector<1x1x16xf32>,
        %parallel_loop3A_512 = vector.shape_cast %parallel_loop3A_511 : vector<1x1x16xf32> to vector<16xf32>
        %parallel_loop3A_513 = arith.mulf %parallel_loop3A_512, %get3A_6 : vector<16xf32>
        %parallel_loop3A_514 = arith.index_cast %parallel_loop3A_505 : i32 to index
        %parallel_loop3A_515 = arith.index_cast %parallel_loop3A_507 : i32 to index
        %parallel_loop3A_516 = arith.constant 0 : index
        %parallel_loop3A_517 = tpu.vector_load %arg8[%parallel_loop3A_514, %parallel_loop3A_515, %parallel_loop3A_516] {strides = array<i32>} : memref<15x8x128xf32, #tpu.memory_space<vmem>>, vector<1x1x16xf32>,
        %parallel_loop3A_518 = vector.shape_cast %parallel_loop3A_517 : vector<1x1x16xf32> to vector<16xf32>
        %parallel_loop3A_519 = arith.addf %parallel_loop3A_513, %parallel_loop3A_518 : vector<16xf32>
        %parallel_loop3A_520 = math.exp %parallel_loop3A_519 : vector<16xf32>
        %parallel_loop3A_521 = arith.addf %parallel_loop3A_496, %parallel_loop3A_520 : vector<16xf32>
        %parallel_loop3A_522 = arith.index_cast %parallel_loop3A_505 : i32 to index
        %parallel_loop3A_523 = arith.index_cast %parallel_loop3A_507 : i32 to index
        %parallel_loop3A_524 = arith.constant 16 : index
        %parallel_loop3A_525 = tpu.vector_load %arg6[%parallel_loop3A_522, %parallel_loop3A_523, %parallel_loop3A_524] {strides = array<i32>} : memref<15x8x128xf32, #tpu.memory_space<vmem>>, vector<1x1x16xf32>,
        %parallel_loop3A_526 = vector.shape_cast %parallel_loop3A_525 : vector<1x1x16xf32> to vector<16xf32>
        %parallel_loop3A_527 = arith.mulf %parallel_loop3A_526, %get3A_6 : vector<16xf32>
        %parallel_loop3A_528 = arith.index_cast %parallel_loop3A_505 : i32 to index
        %parallel_loop3A_529 = arith.index_cast %parallel_loop3A_507 : i32 to index
        %parallel_loop3A_530 = arith.constant 16 : index
        %parallel_loop3A_531 = tpu.vector_load %arg8[%parallel_loop3A_528, %parallel_loop3A_529, %parallel_loop3A_530] {strides = array<i32>} : memref<15x8x128xf32, #tpu.memory_space<vmem>>, vector<1x1x16xf32>,
        %parallel_loop3A_532 = vector.shape_cast %parallel_loop3A_531 : vector<1x1x16xf32> to vector<16xf32>
        %parallel_loop3A_533 = arith.addf %parallel_loop3A_527, %parallel_loop3A_532 : vector<16xf32>
        %parallel_loop3A_534 = math.exp %parallel_loop3A_533 : vector<16xf32>
        %parallel_loop3A_535 = arith.addf %parallel_loop3A_497, %parallel_loop3A_534 : vector<16xf32>
        %parallel_loop3A_536 = arith.index_cast %parallel_loop3A_505 : i32 to index
        %parallel_loop3A_537 = arith.index_cast %parallel_loop3A_507 : i32 to index
        %parallel_loop3A_538 = arith.constant 32 : index
        %parallel_loop3A_539 = tpu.vector_load %arg6[%parallel_loop3A_536, %parallel_loop3A_537, %parallel_loop3A_538] {strides = array<i32>} : memref<15x8x128xf32, #tpu.memory_space<vmem>>, vector<1x1x16xf32>,
        %parallel_loop3A_540 = vector.shape_cast %parallel_loop3A_539 : vector<1x1x16xf32> to vector<16xf32>
        %parallel_loop3A_541 = arith.mulf %parallel_loop3A_540, %get3A_6 : vector<16xf32>
        %parallel_loop3A_542 = arith.index_cast %parallel_loop3A_505 : i32 to index
        %parallel_loop3A_543 = arith.index_cast %parallel_loop3A_507 : i32 to index
        %parallel_loop3A_544 = arith.constant 32 : index
        %parallel_loop3A_545 = tpu.vector_load %arg8[%parallel_loop3A_542, %parallel_loop3A_543, %parallel_loop3A_544] {strides = array<i32>} : memref<15x8x128xf32, #tpu.memory_space<vmem>>, vector<1x1x16xf32>,
        %parallel_loop3A_546 = vector.shape_cast %parallel_loop3A_545 : vector<1x1x16xf32> to vector<16xf32>
        %parallel_loop3A_547 = arith.addf %parallel_loop3A_541, %parallel_loop3A_546 : vector<16xf32>
        %parallel_loop3A_548 = math.exp %parallel_loop3A_547 : vector<16xf32>
        %parallel_loop3A_549 = arith.addf %parallel_loop3A_498, %parallel_loop3A_548 : vector<16xf32>
        %parallel_loop3A_550 = arith.index_cast %parallel_loop3A_505 : i32 to index
        %parallel_loop3A_551 = arith.index_cast %parallel_loop3A_507 : i32 to index
        %parallel_loop3A_552 = arith.constant 48 : index
        %parallel_loop3A_553 = tpu.vector_load %arg6[%parallel_loop3A_550, %parallel_loop3A_551, %parallel_loop3A_552] {strides = array<i32>} : memref<15x8x128xf32, #tpu.memory_space<vmem>>, vector<1x1x16xf32>,
        %parallel_loop3A_554 = vector.shape_cast %parallel_loop3A_553 : vector<1x1x16xf32> to vector<16xf32>
        %parallel_loop3A_555 = arith.mulf %parallel_loop3A_554, %get3A_6 : vector<16xf32>
        %parallel_loop3A_556 = arith.index_cast %parallel_loop3A_505 : i32 to index
        %parallel_loop3A_557 = arith.index_cast %parallel_loop3A_507 : i32 to index
        %parallel_loop3A_558 = arith.constant 48 : index
        %parallel_loop3A_559 = tpu.vector_load %arg8[%parallel_loop3A_556, %parallel_loop3A_557, %parallel_loop3A_558] {strides = array<i32>} : memref<15x8x128xf32, #tpu.memory_space<vmem>>, vector<1x1x16xf32>,
        %parallel_loop3A_560 = vector.shape_cast %parallel_loop3A_559 : vector<1x1x16xf32> to vector<16xf32>
        %parallel_loop3A_561 = arith.addf %parallel_loop3A_555, %parallel_loop3A_560 : vector<16xf32>
        %parallel_loop3A_562 = math.exp %parallel_loop3A_561 : vector<16xf32>
        %parallel_loop3A_563 = arith.addf %parallel_loop3A_499, %parallel_loop3A_562 : vector<16xf32>
        %parallel_loop3A_564 = arith.index_cast %parallel_loop3A_505 : i32 to index
        %parallel_loop3A_565 = arith.index_cast %parallel_loop3A_507 : i32 to index
        %parallel_loop3A_566 = arith.constant 64 : index
        %parallel_loop3A_567 = tpu.vector_load %arg6[%parallel_loop3A_564, %parallel_loop3A_565, %parallel_loop3A_566] {strides = array<i32>} : memref<15x8x128xf32, #tpu.memory_space<vmem>>, vector<1x1x16xf32>,
        %parallel_loop3A_568 = vector.shape_cast %parallel_loop3A_567 : vector<1x1x16xf32> to vector<16xf32>
        %parallel_loop3A_569 = arith.mulf %parallel_loop3A_568, %get3A_6 : vector<16xf32>
        %parallel_loop3A_570 = arith.index_cast %parallel_loop3A_505 : i32 to index
        %parallel_loop3A_571 = arith.index_cast %parallel_loop3A_507 : i32 to index
        %parallel_loop3A_572 = arith.constant 64 : index
        %parallel_loop3A_573 = tpu.vector_load %arg8[%parallel_loop3A_570, %parallel_loop3A_571, %parallel_loop3A_572] {strides = array<i32>} : memref<15x8x128xf32, #tpu.memory_space<vmem>>, vector<1x1x16xf32>,
        %parallel_loop3A_574 = vector.shape_cast %parallel_loop3A_573 : vector<1x1x16xf32> to vector<16xf32>
        %parallel_loop3A_575 = arith.addf %parallel_loop3A_569, %parallel_loop3A_574 : vector<16xf32>
        %parallel_loop3A_576 = math.exp %parallel_loop3A_575 : vector<16xf32>
        %parallel_loop3A_577 = arith.addf %parallel_loop3A_500, %parallel_loop3A_576 : vector<16xf32>
        %parallel_loop3A_578 = arith.index_cast %parallel_loop3A_505 : i32 to index
        %parallel_loop3A_579 = arith.index_cast %parallel_loop3A_507 : i32 to index
        %parallel_loop3A_580 = arith.constant 80 : index
        %parallel_loop3A_581 = tpu.vector_load %arg6[%parallel_loop3A_578, %parallel_loop3A_579, %parallel_loop3A_580] {strides = array<i32>} : memref<15x8x128xf32, #tpu.memory_space<vmem>>, vector<1x1x16xf32>,
        %parallel_loop3A_582 = vector.shape_cast %parallel_loop3A_581 : vector<1x1x16xf32> to vector<16xf32>
        %parallel_loop3A_583 = arith.mulf %parallel_loop3A_582, %get3A_6 : vector<16xf32>
        %parallel_loop3A_584 = arith.index_cast %parallel_loop3A_505 : i32 to index
        %parallel_loop3A_585 = arith.index_cast %parallel_loop3A_507 : i32 to index
        %parallel_loop3A_586 = arith.constant 80 : index
        %parallel_loop3A_587 = tpu.vector_load %arg8[%parallel_loop3A_584, %parallel_loop3A_585, %parallel_loop3A_586] {strides = array<i32>} : memref<15x8x128xf32, #tpu.memory_space<vmem>>, vector<1x1x16xf32>,
        %parallel_loop3A_588 = vector.shape_cast %parallel_loop3A_587 : vector<1x1x16xf32> to vector<16xf32>
        %parallel_loop3A_589 = arith.addf %parallel_loop3A_583, %parallel_loop3A_588 : vector<16xf32>
        %parallel_loop3A_590 = math.exp %parallel_loop3A_589 : vector<16xf32>
        %parallel_loop3A_591 = arith.addf %parallel_loop3A_501, %parallel_loop3A_590 : vector<16xf32>
        %parallel_loop3A_592 = arith.index_cast %parallel_loop3A_505 : i32 to index
        %parallel_loop3A_593 = arith.index_cast %parallel_loop3A_507 : i32 to index
        %parallel_loop3A_594 = arith.constant 96 : index
        %parallel_loop3A_595 = tpu.vector_load %arg6[%parallel_loop3A_592, %parallel_loop3A_593, %parallel_loop3A_594] {strides = array<i32>} : memref<15x8x128xf32, #tpu.memory_space<vmem>>, vector<1x1x16xf32>,
        %parallel_loop3A_596 = vector.shape_cast %parallel_loop3A_595 : vector<1x1x16xf32> to vector<16xf32>
        %parallel_loop3A_597 = arith.mulf %parallel_loop3A_596, %get3A_6 : vector<16xf32>
        %parallel_loop3A_598 = arith.index_cast %parallel_loop3A_505 : i32 to index
        %parallel_loop3A_599 = arith.index_cast %parallel_loop3A_507 : i32 to index
        %parallel_loop3A_600 = arith.constant 96 : index
        %parallel_loop3A_601 = tpu.vector_load %arg8[%parallel_loop3A_598, %parallel_loop3A_599, %parallel_loop3A_600] {strides = array<i32>} : memref<15x8x128xf32, #tpu.memory_space<vmem>>, vector<1x1x16xf32>,
        %parallel_loop3A_602 = vector.shape_cast %parallel_loop3A_601 : vector<1x1x16xf32> to vector<16xf32>
        %parallel_loop3A_603 = arith.addf %parallel_loop3A_597, %parallel_loop3A_602 : vector<16xf32>
        %parallel_loop3A_604 = math.exp %parallel_loop3A_603 : vector<16xf32>
        %parallel_loop3A_605 = arith.addf %parallel_loop3A_502, %parallel_loop3A_604 : vector<16xf32>
        %parallel_loop3A_606 = arith.index_cast %parallel_loop3A_505 : i32 to index
        %parallel_loop3A_607 = arith.index_cast %parallel_loop3A_507 : i32 to index
        %parallel_loop3A_608 = arith.constant 112 : index
        %parallel_loop3A_609 = tpu.vector_load %arg6[%parallel_loop3A_606, %parallel_loop3A_607, %parallel_loop3A_608] {strides = array<i32>} : memref<15x8x128xf32, #tpu.memory_space<vmem>>, vector<1x1x16xf32>,
        %parallel_loop3A_610 = vector.shape_cast %parallel_loop3A_609 : vector<1x1x16xf32> to vector<16xf32>
        %parallel_loop3A_611 = arith.mulf %parallel_loop3A_610, %get3A_6 : vector<16xf32>
        %parallel_loop3A_612 = arith.index_cast %parallel_loop3A_505 : i32 to index
        %parallel_loop3A_613 = arith.index_cast %parallel_loop3A_507 : i32 to index
        %parallel_loop3A_614 = arith.constant 112 : index
        %parallel_loop3A_615 = tpu.vector_load %arg8[%parallel_loop3A_612, %parallel_loop3A_613, %parallel_loop3A_614] {strides = array<i32>} : memref<15x8x128xf32, #tpu.memory_space<vmem>>, vector<1x1x16xf32>,
        %parallel_loop3A_616 = vector.shape_cast %parallel_loop3A_615 : vector<1x1x16xf32> to vector<16xf32>
        %parallel_loop3A_617 = arith.addf %parallel_loop3A_611, %parallel_loop3A_616 : vector<16xf32>
        %parallel_loop3A_618 = math.exp %parallel_loop3A_617 : vector<16xf32>
        %parallel_loop3A_619 = arith.addf %parallel_loop3A_503, %parallel_loop3A_618 : vector<16xf32>
        scf.yield %parallel_loop3A_521, %parallel_loop3A_535, %parallel_loop3A_549, %parallel_loop3A_563, %parallel_loop3A_577, %parallel_loop3A_591, %parallel_loop3A_605, %parallel_loop3A_619 : vector<16xf32>, vector<16xf32>, vector<16xf32>, vector<16xf32>, vector<16xf32>, vector<16xf32>, vector<16xf32>, vector<16xf32>
      } {sc.loop_unroll_factor = 2 : i64, sc.parallel_access}
      %add3A_470 = arith.constant 2 : i32
      %add3A_471 = arith.addi %mul3A_435, %add3A_470 : i32
      %lt3A = arith.constant 10 : i32
      %lt3A_472 = arith.cmpi slt, %add3A_471, %lt3A : i32
      %convert_element_type3A = arith.extui %lt3A_472 : i1 to i32
      %cond3A = arith.constant 0 : i32
      %cond3A_473 = arith.cmpi ne, %convert_element_type3A, %cond3A : i32
      scf.if %cond3A_473 {
        %add3A_495 = arith.constant 2 : i32
        %add3A_496 = arith.addi %mul3A_435, %add3A_495 : i32
        %mul3A_497 = arith.constant 15 : i32
        %mul3A_498 = arith.muli %add3A_496, %mul3A_497 : i32
        %add3A_499 = arith.addi %add3A_4, %mul3A_498 : i32
        %dma_start3A_500 = arith.constant 0 : i32
        %dma_start3A_501 = arith.constant 0 : i32
        %dma_start3A_502 = tpu.memref_slice %arg2[%add3A_499, %dma_start3A_500, %dma_start3A_501] : memref<12500x8x128xf32, #tpu.memory_space<hbm>> -> memref<15x8x128xf32, #tpu.memory_space<hbm>>
        %dma_start3A_503 = arith.constant 0 : i32
        %dma_start3A_504 = arith.constant 0 : i32
        %dma_start3A_505 = tpu.memref_slice %arg2[%add3A_499, %dma_start3A_503, %dma_start3A_504] : memref<12500x8x128xf32, #tpu.memory_space<hbm>> -> memref<15x8x128xf32, #tpu.memory_space<hbm>>
        tpu.enqueue_dma source(%dma_start3A_505 : memref<15x8x128xf32, #tpu.memory_space<hbm>>) target(%arg6 : memref<15x8x128xf32, #tpu.memory_space<vmem>>) target_semaphore(%arg12 : memref<!tpu.dma_semaphore, #tpu.memory_space<semaphore_mem>>)
        %dma_start3A_506 = arith.constant 0 : i32
        %dma_start3A_507 = arith.constant 0 : i32
        %dma_start3A_508 = tpu.memref_slice %arg4[%add3A_499, %dma_start3A_506, %dma_start3A_507] : memref<12500x8x128xf32, #tpu.memory_space<hbm>> -> memref<15x8x128xf32, #tpu.memory_space<hbm>>
        %dma_start3A_509 = arith.constant 0 : i32
        %dma_start3A_510 = arith.constant 0 : i32
        %dma_start3A_511 = tpu.memref_slice %arg4[%add3A_499, %dma_start3A_509, %dma_start3A_510] : memref<12500x8x128xf32, #tpu.memory_space<hbm>> -> memref<15x8x128xf32, #tpu.memory_space<hbm>>
        tpu.enqueue_dma source(%dma_start3A_511 : memref<15x8x128xf32, #tpu.memory_space<hbm>>) target(%arg8 : memref<15x8x128xf32, #tpu.memory_space<vmem>>) target_semaphore(%arg14 : memref<!tpu.dma_semaphore, #tpu.memory_space<semaphore_mem>>)
      } else {
      }
      %add3A_474 = arith.constant 1 : i32
      %add3A_475 = arith.addi %mul3A_435, %add3A_474 : i32
      %mul3A_476 = arith.constant 15 : i32
      %mul3A_477 = arith.muli %add3A_475, %mul3A_476 : i32
      %add3A_478 = arith.addi %add3A_4, %mul3A_477 : i32
      %dma_wait3A_479 = arith.constant 0 : i32
      %dma_wait3A_480 = arith.constant 0 : i32
      %dma_wait3A_481 = tpu.memref_slice %arg2[%add3A_478, %dma_wait3A_479, %dma_wait3A_480] : memref<12500x8x128xf32, #tpu.memory_space<hbm>> -> memref<15x8x128xf32, #tpu.memory_space<hbm>>
      %dma_wait3A_482 = arith.constant 0 : i32
      %dma_wait3A_483 = arith.constant 0 : i32
      %dma_wait3A_484 = tpu.memref_slice %arg2[%add3A_478, %dma_wait3A_482, %dma_wait3A_483] : memref<12500x8x128xf32, #tpu.memory_space<hbm>> -> memref<15x8x128xf32, #tpu.memory_space<hbm>>
      tpu.wait_dma2 semaphore(%arg13 : memref<!tpu.dma_semaphore, #tpu.memory_space<semaphore_mem>>) src(%dma_wait3A_484 : memref<15x8x128xf32, #tpu.memory_space<hbm>>) dst(%arg7 : memref<15x8x128xf32, #tpu.memory_space<vmem>>)
      %dma_wait3A_485 = arith.constant 0 : i32
      %dma_wait3A_486 = arith.constant 0 : i32
      %dma_wait3A_487 = tpu.memref_slice %arg4[%add3A_478, %dma_wait3A_485, %dma_wait3A_486] : memref<12500x8x128xf32, #tpu.memory_space<hbm>> -> memref<15x8x128xf32, #tpu.memory_space<hbm>>
      %dma_wait3A_488 = arith.constant 0 : i32
      %dma_wait3A_489 = arith.constant 0 : i32
      %dma_wait3A_490 = tpu.memref_slice %arg4[%add3A_478, %dma_wait3A_488, %dma_wait3A_489] : memref<12500x8x128xf32, #tpu.memory_space<hbm>> -> memref<15x8x128xf32, #tpu.memory_space<hbm>>
      tpu.wait_dma2 semaphore(%arg15 : memref<!tpu.dma_semaphore, #tpu.memory_space<semaphore_mem>>) src(%dma_wait3A_490 : memref<15x8x128xf32, #tpu.memory_space<hbm>>) dst(%arg9 : memref<15x8x128xf32, #tpu.memory_space<vmem>>)
      %parallel_loop3A_491 = arith.constant 0 : i32
      %parallel_loop3A_492 = arith.constant 120 : i32
      %parallel_loop3A_493 = arith.constant 1 : i32
      %parallel_loop3A_494:8 = scf.for %parallel_loop3A_495 = %parallel_loop3A_491 to %parallel_loop3A_492 step %parallel_loop3A_493 iter_args(%parallel_loop3A_496 = %parallel_loop3A_469#0, %parallel_loop3A_497 = %parallel_loop3A_469#1, %parallel_loop3A_498 = %parallel_loop3A_469#2, %parallel_loop3A_499 = %parallel_loop3A_469#3, %parallel_loop3A_500 = %parallel_loop3A_469#4, %parallel_loop3A_501 = %parallel_loop3A_469#5, %parallel_loop3A_502 = %parallel_loop3A_469#6, %parallel_loop3A_503 = %parallel_loop3A_469#7) -> (vector<16xf32>, vector<16xf32>, vector<16xf32>, vector<16xf32>, vector<16xf32>, vector<16xf32>, vector<16xf32>, vector<16xf32>)  : i32 {
        %parallel_loop3A_504 = arith.constant 3 : i32
        %parallel_loop3A_505 = arith.shrui %parallel_loop3A_495, %parallel_loop3A_504 : i32
        %parallel_loop3A_506 = arith.constant 7 : i32
        %parallel_loop3A_507 = arith.andi %parallel_loop3A_495, %parallel_loop3A_506 : i32
        %parallel_loop3A_508 = arith.index_cast %parallel_loop3A_505 : i32 to index
        %parallel_loop3A_509 = arith.index_cast %parallel_loop3A_507 : i32 to index
        %parallel_loop3A_510 = arith.constant 0 : index
        %parallel_loop3A_511 = tpu.vector_load %arg7[%parallel_loop3A_508, %parallel_loop3A_509, %parallel_loop3A_510] {strides = array<i32>} : memref<15x8x128xf32, #tpu.memory_space<vmem>>, vector<1x1x16xf32>,
        %parallel_loop3A_512 = vector.shape_cast %parallel_loop3A_511 : vector<1x1x16xf32> to vector<16xf32>
        %parallel_loop3A_513 = arith.mulf %parallel_loop3A_512, %get3A_6 : vector<16xf32>
        %parallel_loop3A_514 = arith.index_cast %parallel_loop3A_505 : i32 to index
        %parallel_loop3A_515 = arith.index_cast %parallel_loop3A_507 : i32 to index
        %parallel_loop3A_516 = arith.constant 0 : index
        %parallel_loop3A_517 = tpu.vector_load %arg9[%parallel_loop3A_514, %parallel_loop3A_515, %parallel_loop3A_516] {strides = array<i32>} : memref<15x8x128xf32, #tpu.memory_space<vmem>>, vector<1x1x16xf32>,
        %parallel_loop3A_518 = vector.shape_cast %parallel_loop3A_517 : vector<1x1x16xf32> to vector<16xf32>
        %parallel_loop3A_519 = arith.addf %parallel_loop3A_513, %parallel_loop3A_518 : vector<16xf32>
        %parallel_loop3A_520 = math.exp %parallel_loop3A_519 : vector<16xf32>
        %parallel_loop3A_521 = arith.addf %parallel_loop3A_496, %parallel_loop3A_520 : vector<16xf32>
        %parallel_loop3A_522 = arith.index_cast %parallel_loop3A_505 : i32 to index
        %parallel_loop3A_523 = arith.index_cast %parallel_loop3A_507 : i32 to index
        %parallel_loop3A_524 = arith.constant 16 : index
        %parallel_loop3A_525 = tpu.vector_load %arg7[%parallel_loop3A_522, %parallel_loop3A_523, %parallel_loop3A_524] {strides = array<i32>} : memref<15x8x128xf32, #tpu.memory_space<vmem>>, vector<1x1x16xf32>,
        %parallel_loop3A_526 = vector.shape_cast %parallel_loop3A_525 : vector<1x1x16xf32> to vector<16xf32>
        %parallel_loop3A_527 = arith.mulf %parallel_loop3A_526, %get3A_6 : vector<16xf32>
        %parallel_loop3A_528 = arith.index_cast %parallel_loop3A_505 : i32 to index
        %parallel_loop3A_529 = arith.index_cast %parallel_loop3A_507 : i32 to index
        %parallel_loop3A_530 = arith.constant 16 : index
        %parallel_loop3A_531 = tpu.vector_load %arg9[%parallel_loop3A_528, %parallel_loop3A_529, %parallel_loop3A_530] {strides = array<i32>} : memref<15x8x128xf32, #tpu.memory_space<vmem>>, vector<1x1x16xf32>,
        %parallel_loop3A_532 = vector.shape_cast %parallel_loop3A_531 : vector<1x1x16xf32> to vector<16xf32>
        %parallel_loop3A_533 = arith.addf %parallel_loop3A_527, %parallel_loop3A_532 : vector<16xf32>
        %parallel_loop3A_534 = math.exp %parallel_loop3A_533 : vector<16xf32>
        %parallel_loop3A_535 = arith.addf %parallel_loop3A_497, %parallel_loop3A_534 : vector<16xf32>
        %parallel_loop3A_536 = arith.index_cast %parallel_loop3A_505 : i32 to index
        %parallel_loop3A_537 = arith.index_cast %parallel_loop3A_507 : i32 to index
        %parallel_loop3A_538 = arith.constant 32 : index
        %parallel_loop3A_539 = tpu.vector_load %arg7[%parallel_loop3A_536, %parallel_loop3A_537, %parallel_loop3A_538] {strides = array<i32>} : memref<15x8x128xf32, #tpu.memory_space<vmem>>, vector<1x1x16xf32>,
        %parallel_loop3A_540 = vector.shape_cast %parallel_loop3A_539 : vector<1x1x16xf32> to vector<16xf32>
        %parallel_loop3A_541 = arith.mulf %parallel_loop3A_540, %get3A_6 : vector<16xf32>
        %parallel_loop3A_542 = arith.index_cast %parallel_loop3A_505 : i32 to index
        %parallel_loop3A_543 = arith.index_cast %parallel_loop3A_507 : i32 to index
        %parallel_loop3A_544 = arith.constant 32 : index
        %parallel_loop3A_545 = tpu.vector_load %arg9[%parallel_loop3A_542, %parallel_loop3A_543, %parallel_loop3A_544] {strides = array<i32>} : memref<15x8x128xf32, #tpu.memory_space<vmem>>, vector<1x1x16xf32>,
        %parallel_loop3A_546 = vector.shape_cast %parallel_loop3A_545 : vector<1x1x16xf32> to vector<16xf32>
        %parallel_loop3A_547 = arith.addf %parallel_loop3A_541, %parallel_loop3A_546 : vector<16xf32>
        %parallel_loop3A_548 = math.exp %parallel_loop3A_547 : vector<16xf32>
        %parallel_loop3A_549 = arith.addf %parallel_loop3A_498, %parallel_loop3A_548 : vector<16xf32>
        %parallel_loop3A_550 = arith.index_cast %parallel_loop3A_505 : i32 to index
        %parallel_loop3A_551 = arith.index_cast %parallel_loop3A_507 : i32 to index
        %parallel_loop3A_552 = arith.constant 48 : index
        %parallel_loop3A_553 = tpu.vector_load %arg7[%parallel_loop3A_550, %parallel_loop3A_551, %parallel_loop3A_552] {strides = array<i32>} : memref<15x8x128xf32, #tpu.memory_space<vmem>>, vector<1x1x16xf32>,
        %parallel_loop3A_554 = vector.shape_cast %parallel_loop3A_553 : vector<1x1x16xf32> to vector<16xf32>
        %parallel_loop3A_555 = arith.mulf %parallel_loop3A_554, %get3A_6 : vector<16xf32>
        %parallel_loop3A_556 = arith.index_cast %parallel_loop3A_505 : i32 to index
        %parallel_loop3A_557 = arith.index_cast %parallel_loop3A_507 : i32 to index
        %parallel_loop3A_558 = arith.constant 48 : index
        %parallel_loop3A_559 = tpu.vector_load %arg9[%parallel_loop3A_556, %parallel_loop3A_557, %parallel_loop3A_558] {strides = array<i32>} : memref<15x8x128xf32, #tpu.memory_space<vmem>>, vector<1x1x16xf32>,
        %parallel_loop3A_560 = vector.shape_cast %parallel_loop3A_559 : vector<1x1x16xf32> to vector<16xf32>
        %parallel_loop3A_561 = arith.addf %parallel_loop3A_555, %parallel_loop3A_560 : vector<16xf32>
        %parallel_loop3A_562 = math.exp %parallel_loop3A_561 : vector<16xf32>
        %parallel_loop3A_563 = arith.addf %parallel_loop3A_499, %parallel_loop3A_562 : vector<16xf32>
        %parallel_loop3A_564 = arith.index_cast %parallel_loop3A_505 : i32 to index
        %parallel_loop3A_565 = arith.index_cast %parallel_loop3A_507 : i32 to index
        %parallel_loop3A_566 = arith.constant 64 : index
        %parallel_loop3A_567 = tpu.vector_load %arg7[%parallel_loop3A_564, %parallel_loop3A_565, %parallel_loop3A_566] {strides = array<i32>} : memref<15x8x128xf32, #tpu.memory_space<vmem>>, vector<1x1x16xf32>,
        %parallel_loop3A_568 = vector.shape_cast %parallel_loop3A_567 : vector<1x1x16xf32> to vector<16xf32>
        %parallel_loop3A_569 = arith.mulf %parallel_loop3A_568, %get3A_6 : vector<16xf32>
        %parallel_loop3A_570 = arith.index_cast %parallel_loop3A_505 : i32 to index
        %parallel_loop3A_571 = arith.index_cast %parallel_loop3A_507 : i32 to index
        %parallel_loop3A_572 = arith.constant 64 : index
        %parallel_loop3A_573 = tpu.vector_load %arg9[%parallel_loop3A_570, %parallel_loop3A_571, %parallel_loop3A_572] {strides = array<i32>} : memref<15x8x128xf32, #tpu.memory_space<vmem>>, vector<1x1x16xf32>,
        %parallel_loop3A_574 = vector.shape_cast %parallel_loop3A_573 : vector<1x1x16xf32> to vector<16xf32>
        %parallel_loop3A_575 = arith.addf %parallel_loop3A_569, %parallel_loop3A_574 : vector<16xf32>
        %parallel_loop3A_576 = math.exp %parallel_loop3A_575 : vector<16xf32>
        %parallel_loop3A_577 = arith.addf %parallel_loop3A_500, %parallel_loop3A_576 : vector<16xf32>
        %parallel_loop3A_578 = arith.index_cast %parallel_loop3A_505 : i32 to index
        %parallel_loop3A_579 = arith.index_cast %parallel_loop3A_507 : i32 to index
        %parallel_loop3A_580 = arith.constant 80 : index
        %parallel_loop3A_581 = tpu.vector_load %arg7[%parallel_loop3A_578, %parallel_loop3A_579, %parallel_loop3A_580] {strides = array<i32>} : memref<15x8x128xf32, #tpu.memory_space<vmem>>, vector<1x1x16xf32>,
        %parallel_loop3A_582 = vector.shape_cast %parallel_loop3A_581 : vector<1x1x16xf32> to vector<16xf32>
        %parallel_loop3A_583 = arith.mulf %parallel_loop3A_582, %get3A_6 : vector<16xf32>
        %parallel_loop3A_584 = arith.index_cast %parallel_loop3A_505 : i32 to index
        %parallel_loop3A_585 = arith.index_cast %parallel_loop3A_507 : i32 to index
        %parallel_loop3A_586 = arith.constant 80 : index
        %parallel_loop3A_587 = tpu.vector_load %arg9[%parallel_loop3A_584, %parallel_loop3A_585, %parallel_loop3A_586] {strides = array<i32>} : memref<15x8x128xf32, #tpu.memory_space<vmem>>, vector<1x1x16xf32>,
        %parallel_loop3A_588 = vector.shape_cast %parallel_loop3A_587 : vector<1x1x16xf32> to vector<16xf32>
        %parallel_loop3A_589 = arith.addf %parallel_loop3A_583, %parallel_loop3A_588 : vector<16xf32>
        %parallel_loop3A_590 = math.exp %parallel_loop3A_589 : vector<16xf32>
        %parallel_loop3A_591 = arith.addf %parallel_loop3A_501, %parallel_loop3A_590 : vector<16xf32>
        %parallel_loop3A_592 = arith.index_cast %parallel_loop3A_505 : i32 to index
        %parallel_loop3A_593 = arith.index_cast %parallel_loop3A_507 : i32 to index
        %parallel_loop3A_594 = arith.constant 96 : index
        %parallel_loop3A_595 = tpu.vector_load %arg7[%parallel_loop3A_592, %parallel_loop3A_593, %parallel_loop3A_594] {strides = array<i32>} : memref<15x8x128xf32, #tpu.memory_space<vmem>>, vector<1x1x16xf32>,
        %parallel_loop3A_596 = vector.shape_cast %parallel_loop3A_595 : vector<1x1x16xf32> to vector<16xf32>
        %parallel_loop3A_597 = arith.mulf %parallel_loop3A_596, %get3A_6 : vector<16xf32>
        %parallel_loop3A_598 = arith.index_cast %parallel_loop3A_505 : i32 to index
        %parallel_loop3A_599 = arith.index_cast %parallel_loop3A_507 : i32 to index
        %parallel_loop3A_600 = arith.constant 96 : index
        %parallel_loop3A_601 = tpu.vector_load %arg9[%parallel_loop3A_598, %parallel_loop3A_599, %parallel_loop3A_600] {strides = array<i32>} : memref<15x8x128xf32, #tpu.memory_space<vmem>>, vector<1x1x16xf32>,
        %parallel_loop3A_602 = vector.shape_cast %parallel_loop3A_601 : vector<1x1x16xf32> to vector<16xf32>
        %parallel_loop3A_603 = arith.addf %parallel_loop3A_597, %parallel_loop3A_602 : vector<16xf32>
        %parallel_loop3A_604 = math.exp %parallel_loop3A_603 : vector<16xf32>
        %parallel_loop3A_605 = arith.addf %parallel_loop3A_502, %parallel_loop3A_604 : vector<16xf32>
        %parallel_loop3A_606 = arith.index_cast %parallel_loop3A_505 : i32 to index
        %parallel_loop3A_607 = arith.index_cast %parallel_loop3A_507 : i32 to index
        %parallel_loop3A_608 = arith.constant 112 : index
        %parallel_loop3A_609 = tpu.vector_load %arg7[%parallel_loop3A_606, %parallel_loop3A_607, %parallel_loop3A_608] {strides = array<i32>} : memref<15x8x128xf32, #tpu.memory_space<vmem>>, vector<1x1x16xf32>,
        %parallel_loop3A_610 = vector.shape_cast %parallel_loop3A_609 : vector<1x1x16xf32> to vector<16xf32>
        %parallel_loop3A_611 = arith.mulf %parallel_loop3A_610, %get3A_6 : vector<16xf32>
        %parallel_loop3A_612 = arith.index_cast %parallel_loop3A_505 : i32 to index
        %parallel_loop3A_613 = arith.index_cast %parallel_loop3A_507 : i32 to index
        %parallel_loop3A_614 = arith.constant 112 : index
        %parallel_loop3A_615 = tpu.vector_load %arg9[%parallel_loop3A_612, %parallel_loop3A_613, %parallel_loop3A_614] {strides = array<i32>} : memref<15x8x128xf32, #tpu.memory_space<vmem>>, vector<1x1x16xf32>,
        %parallel_loop3A_616 = vector.shape_cast %parallel_loop3A_615 : vector<1x1x16xf32> to vector<16xf32>
        %parallel_loop3A_617 = arith.addf %parallel_loop3A_611, %parallel_loop3A_616 : vector<16xf32>
        %parallel_loop3A_618 = math.exp %parallel_loop3A_617 : vector<16xf32>
        %parallel_loop3A_619 = arith.addf %parallel_loop3A_503, %parallel_loop3A_618 : vector<16xf32>
        scf.yield %parallel_loop3A_521, %parallel_loop3A_535, %parallel_loop3A_549, %parallel_loop3A_563, %parallel_loop3A_577, %parallel_loop3A_591, %parallel_loop3A_605, %parallel_loop3A_619 : vector<16xf32>, vector<16xf32>, vector<16xf32>, vector<16xf32>, vector<16xf32>, vector<16xf32>, vector<16xf32>, vector<16xf32>
      } {sc.loop_unroll_factor = 2 : i64, sc.parallel_access}
      scf.yield %parallel_loop3A_494#0, %parallel_loop3A_494#1, %parallel_loop3A_494#2, %parallel_loop3A_494#3, %parallel_loop3A_494#4, %parallel_loop3A_494#5, %parallel_loop3A_494#6, %parallel_loop3A_494#7 : vector<16xf32>, vector<16xf32>, vector<16xf32>, vector<16xf32>, vector<16xf32>, vector<16xf32>, vector<16xf32>, vector<16xf32>
    }
    %scan3A_39 = arith.constant 5 : i32
    %swap3A = arith.constant 0 : i32
    %swap3A_40 = arith.index_cast %swap3A : i32 to index
    %swap3A_41 = arith.constant 0 : index
    %swap3A_42 = tpu.vector_load %arg11[%swap3A_40, %swap3A_41] {strides = array<i32>} : memref<8x128xf32, #tpu.memory_space<vmem>>, vector<1x16xf32>,
    %swap3A_43 = vector.shape_cast %swap3A_42 : vector<1x16xf32> to vector<16xf32>
    %swap3A_44 = vector.shape_cast %scan3A_38#0 : vector<16xf32> to vector<1x16xf32>
    tpu.vector_store %arg11[%swap3A_40, %swap3A_41], %swap3A_44 {strides = array<i32>} : memref<8x128xf32, #tpu.memory_space<vmem>>, vector<1x16xf32>,
    %swap3A_45 = arith.constant 0 : i32
    %swap3A_46 = arith.index_cast %swap3A_45 : i32 to index
    %swap3A_47 = arith.constant 16 : index
    %swap3A_48 = tpu.vector_load %arg11[%swap3A_46, %swap3A_47] {strides = array<i32>} : memref<8x128xf32, #tpu.memory_space<vmem>>, vector<1x16xf32>,
    %swap3A_49 = vector.shape_cast %swap3A_48 : vector<1x16xf32> to vector<16xf32>
    %swap3A_50 = vector.shape_cast %scan3A_38#1 : vector<16xf32> to vector<1x16xf32>
    tpu.vector_store %arg11[%swap3A_46, %swap3A_47], %swap3A_50 {strides = array<i32>} : memref<8x128xf32, #tpu.memory_space<vmem>>, vector<1x16xf32>,
    %swap3A_51 = arith.constant 0 : i32
    %swap3A_52 = arith.index_cast %swap3A_51 : i32 to index
    %swap3A_53 = arith.constant 32 : index
    %swap3A_54 = tpu.vector_load %arg11[%swap3A_52, %swap3A_53] {strides = array<i32>} : memref<8x128xf32, #tpu.memory_space<vmem>>, vector<1x16xf32>,
    %swap3A_55 = vector.shape_cast %swap3A_54 : vector<1x16xf32> to vector<16xf32>
    %swap3A_56 = vector.shape_cast %scan3A_38#2 : vector<16xf32> to vector<1x16xf32>
    tpu.vector_store %arg11[%swap3A_52, %swap3A_53], %swap3A_56 {strides = array<i32>} : memref<8x128xf32, #tpu.memory_space<vmem>>, vector<1x16xf32>,
    %swap3A_57 = arith.constant 0 : i32
    %swap3A_58 = arith.index_cast %swap3A_57 : i32 to index
    %swap3A_59 = arith.constant 48 : index
    %swap3A_60 = tpu.vector_load %arg11[%swap3A_58, %swap3A_59] {strides = array<i32>} : memref<8x128xf32, #tpu.memory_space<vmem>>, vector<1x16xf32>,
    %swap3A_61 = vector.shape_cast %swap3A_60 : vector<1x16xf32> to vector<16xf32>
    %swap3A_62 = vector.shape_cast %scan3A_38#3 : vector<16xf32> to vector<1x16xf32>
    tpu.vector_store %arg11[%swap3A_58, %swap3A_59], %swap3A_62 {strides = array<i32>} : memref<8x128xf32, #tpu.memory_space<vmem>>, vector<1x16xf32>,
    %swap3A_63 = arith.constant 0 : i32
    %swap3A_64 = arith.index_cast %swap3A_63 : i32 to index
    %swap3A_65 = arith.constant 64 : index
    %swap3A_66 = tpu.vector_load %arg11[%swap3A_64, %swap3A_65] {strides = array<i32>} : memref<8x128xf32, #tpu.memory_space<vmem>>, vector<1x16xf32>,
    %swap3A_67 = vector.shape_cast %swap3A_66 : vector<1x16xf32> to vector<16xf32>
    %swap3A_68 = vector.shape_cast %scan3A_38#4 : vector<16xf32> to vector<1x16xf32>
    tpu.vector_store %arg11[%swap3A_64, %swap3A_65], %swap3A_68 {strides = array<i32>} : memref<8x128xf32, #tpu.memory_space<vmem>>, vector<1x16xf32>,
    %swap3A_69 = arith.constant 0 : i32
    %swap3A_70 = arith.index_cast %swap3A_69 : i32 to index
    %swap3A_71 = arith.constant 80 : index
    %swap3A_72 = tpu.vector_load %arg11[%swap3A_70, %swap3A_71] {strides = array<i32>} : memref<8x128xf32, #tpu.memory_space<vmem>>, vector<1x16xf32>,
    %swap3A_73 = vector.shape_cast %swap3A_72 : vector<1x16xf32> to vector<16xf32>
    %swap3A_74 = vector.shape_cast %scan3A_38#5 : vector<16xf32> to vector<1x16xf32>
    tpu.vector_store %arg11[%swap3A_70, %swap3A_71], %swap3A_74 {strides = array<i32>} : memref<8x128xf32, #tpu.memory_space<vmem>>, vector<1x16xf32>,
    %swap3A_75 = arith.constant 0 : i32
    %swap3A_76 = arith.index_cast %swap3A_75 : i32 to index
    %swap3A_77 = arith.constant 96 : index
    %swap3A_78 = tpu.vector_load %arg11[%swap3A_76, %swap3A_77] {strides = array<i32>} : memref<8x128xf32, #tpu.memory_space<vmem>>, vector<1x16xf32>,
    %swap3A_79 = vector.shape_cast %swap3A_78 : vector<1x16xf32> to vector<16xf32>
    %swap3A_80 = vector.shape_cast %scan3A_38#6 : vector<16xf32> to vector<1x16xf32>
    tpu.vector_store %arg11[%swap3A_76, %swap3A_77], %swap3A_80 {strides = array<i32>} : memref<8x128xf32, #tpu.memory_space<vmem>>, vector<1x16xf32>,
    %swap3A_81 = arith.constant 0 : i32
    %swap3A_82 = arith.index_cast %swap3A_81 : i32 to index
    %swap3A_83 = arith.constant 112 : index
    %swap3A_84 = tpu.vector_load %arg11[%swap3A_82, %swap3A_83] {strides = array<i32>} : memref<8x128xf32, #tpu.memory_space<vmem>>, vector<1x16xf32>,
    %swap3A_85 = vector.shape_cast %swap3A_84 : vector<1x16xf32> to vector<16xf32>
    %swap3A_86 = vector.shape_cast %scan3A_38#7 : vector<16xf32> to vector<1x16xf32>
    tpu.vector_store %arg11[%swap3A_82, %swap3A_83], %swap3A_86 {strides = array<i32>} : memref<8x128xf32, #tpu.memory_space<vmem>>, vector<1x16xf32>,
    %swap3A_87 = arith.constant 1 : i32
    %swap3A_88 = arith.index_cast %swap3A_87 : i32 to index
    %swap3A_89 = arith.constant 0 : index
    %swap3A_90 = tpu.vector_load %arg11[%swap3A_88, %swap3A_89] {strides = array<i32>} : memref<8x128xf32, #tpu.memory_space<vmem>>, vector<1x16xf32>,
    %swap3A_91 = vector.shape_cast %swap3A_90 : vector<1x16xf32> to vector<16xf32>
    %swap3A_92 = vector.shape_cast %scan3A_38#0 : vector<16xf32> to vector<1x16xf32>
    tpu.vector_store %arg11[%swap3A_88, %swap3A_89], %swap3A_92 {strides = array<i32>} : memref<8x128xf32, #tpu.memory_space<vmem>>, vector<1x16xf32>,
    %swap3A_93 = arith.constant 1 : i32
    %swap3A_94 = arith.index_cast %swap3A_93 : i32 to index
    %swap3A_95 = arith.constant 16 : index
    %swap3A_96 = tpu.vector_load %arg11[%swap3A_94, %swap3A_95] {strides = array<i32>} : memref<8x128xf32, #tpu.memory_space<vmem>>, vector<1x16xf32>,
    %swap3A_97 = vector.shape_cast %swap3A_96 : vector<1x16xf32> to vector<16xf32>
    %swap3A_98 = vector.shape_cast %scan3A_38#1 : vector<16xf32> to vector<1x16xf32>
    tpu.vector_store %arg11[%swap3A_94, %swap3A_95], %swap3A_98 {strides = array<i32>} : memref<8x128xf32, #tpu.memory_space<vmem>>, vector<1x16xf32>,
    %swap3A_99 = arith.constant 1 : i32
    %swap3A_100 = arith.index_cast %swap3A_99 : i32 to index
    %swap3A_101 = arith.constant 32 : index
    %swap3A_102 = tpu.vector_load %arg11[%swap3A_100, %swap3A_101] {strides = array<i32>} : memref<8x128xf32, #tpu.memory_space<vmem>>, vector<1x16xf32>,
    %swap3A_103 = vector.shape_cast %swap3A_102 : vector<1x16xf32> to vector<16xf32>
    %swap3A_104 = vector.shape_cast %scan3A_38#2 : vector<16xf32> to vector<1x16xf32>
    tpu.vector_store %arg11[%swap3A_100, %swap3A_101], %swap3A_104 {strides = array<i32>} : memref<8x128xf32, #tpu.memory_space<vmem>>, vector<1x16xf32>,
    %swap3A_105 = arith.constant 1 : i32
    %swap3A_106 = arith.index_cast %swap3A_105 : i32 to index
    %swap3A_107 = arith.constant 48 : index
    %swap3A_108 = tpu.vector_load %arg11[%swap3A_106, %swap3A_107] {strides = array<i32>} : memref<8x128xf32, #tpu.memory_space<vmem>>, vector<1x16xf32>,
    %swap3A_109 = vector.shape_cast %swap3A_108 : vector<1x16xf32> to vector<16xf32>
    %swap3A_110 = vector.shape_cast %scan3A_38#3 : vector<16xf32> to vector<1x16xf32>
    tpu.vector_store %arg11[%swap3A_106, %swap3A_107], %swap3A_110 {strides = array<i32>} : memref<8x128xf32, #tpu.memory_space<vmem>>, vector<1x16xf32>,
    %swap3A_111 = arith.constant 1 : i32
    %swap3A_112 = arith.index_cast %swap3A_111 : i32 to index
    %swap3A_113 = arith.constant 64 : index
    %swap3A_114 = tpu.vector_load %arg11[%swap3A_112, %swap3A_113] {strides = array<i32>} : memref<8x128xf32, #tpu.memory_space<vmem>>, vector<1x16xf32>,
    %swap3A_115 = vector.shape_cast %swap3A_114 : vector<1x16xf32> to vector<16xf32>
    %swap3A_116 = vector.shape_cast %scan3A_38#4 : vector<16xf32> to vector<1x16xf32>
    tpu.vector_store %arg11[%swap3A_112, %swap3A_113], %swap3A_116 {strides = array<i32>} : memref<8x128xf32, #tpu.memory_space<vmem>>, vector<1x16xf32>,
    %swap3A_117 = arith.constant 1 : i32
    %swap3A_118 = arith.index_cast %swap3A_117 : i32 to index
    %swap3A_119 = arith.constant 80 : index
    %swap3A_120 = tpu.vector_load %arg11[%swap3A_118, %swap3A_119] {strides = array<i32>} : memref<8x128xf32, #tpu.memory_space<vmem>>, vector<1x16xf32>,
    %swap3A_121 = vector.shape_cast %swap3A_120 : vector<1x16xf32> to vector<16xf32>
    %swap3A_122 = vector.shape_cast %scan3A_38#5 : vector<16xf32> to vector<1x16xf32>
    tpu.vector_store %arg11[%swap3A_118, %swap3A_119], %swap3A_122 {strides = array<i32>} : memref<8x128xf32, #tpu.memory_space<vmem>>, vector<1x16xf32>,
    %swap3A_123 = arith.constant 1 : i32
    %swap3A_124 = arith.index_cast %swap3A_123 : i32 to index
    %swap3A_125 = arith.constant 96 : index
    %swap3A_126 = tpu.vector_load %arg11[%swap3A_124, %swap3A_125] {strides = array<i32>} : memref<8x128xf32, #tpu.memory_space<vmem>>, vector<1x16xf32>,
    %swap3A_127 = vector.shape_cast %swap3A_126 : vector<1x16xf32> to vector<16xf32>
    %swap3A_128 = vector.shape_cast %scan3A_38#6 : vector<16xf32> to vector<1x16xf32>
    tpu.vector_store %arg11[%swap3A_124, %swap3A_125], %swap3A_128 {strides = array<i32>} : memref<8x128xf32, #tpu.memory_space<vmem>>, vector<1x16xf32>,
    %swap3A_129 = arith.constant 1 : i32
    %swap3A_130 = arith.index_cast %swap3A_129 : i32 to index
    %swap3A_131 = arith.constant 112 : index
    %swap3A_132 = tpu.vector_load %arg11[%swap3A_130, %swap3A_131] {strides = array<i32>} : memref<8x128xf32, #tpu.memory_space<vmem>>, vector<1x16xf32>,
    %swap3A_133 = vector.shape_cast %swap3A_132 : vector<1x16xf32> to vector<16xf32>
    %swap3A_134 = vector.shape_cast %scan3A_38#7 : vector<16xf32> to vector<1x16xf32>
    tpu.vector_store %arg11[%swap3A_130, %swap3A_131], %swap3A_134 {strides = array<i32>} : memref<8x128xf32, #tpu.memory_space<vmem>>, vector<1x16xf32>,
    %swap3A_135 = arith.constant 2 : i32
    %swap3A_136 = arith.index_cast %swap3A_135 : i32 to index
    %swap3A_137 = arith.constant 0 : index
    %swap3A_138 = tpu.vector_load %arg11[%swap3A_136, %swap3A_137] {strides = array<i32>} : memref<8x128xf32, #tpu.memory_space<vmem>>, vector<1x16xf32>,
    %swap3A_139 = vector.shape_cast %swap3A_138 : vector<1x16xf32> to vector<16xf32>
    %swap3A_140 = vector.shape_cast %scan3A_38#0 : vector<16xf32> to vector<1x16xf32>
    tpu.vector_store %arg11[%swap3A_136, %swap3A_137], %swap3A_140 {strides = array<i32>} : memref<8x128xf32, #tpu.memory_space<vmem>>, vector<1x16xf32>,
    %swap3A_141 = arith.constant 2 : i32
    %swap3A_142 = arith.index_cast %swap3A_141 : i32 to index
    %swap3A_143 = arith.constant 16 : index
    %swap3A_144 = tpu.vector_load %arg11[%swap3A_142, %swap3A_143] {strides = array<i32>} : memref<8x128xf32, #tpu.memory_space<vmem>>, vector<1x16xf32>,
    %swap3A_145 = vector.shape_cast %swap3A_144 : vector<1x16xf32> to vector<16xf32>
    %swap3A_146 = vector.shape_cast %scan3A_38#1 : vector<16xf32> to vector<1x16xf32>
    tpu.vector_store %arg11[%swap3A_142, %swap3A_143], %swap3A_146 {strides = array<i32>} : memref<8x128xf32, #tpu.memory_space<vmem>>, vector<1x16xf32>,
    %swap3A_147 = arith.constant 2 : i32
    %swap3A_148 = arith.index_cast %swap3A_147 : i32 to index
    %swap3A_149 = arith.constant 32 : index
    %swap3A_150 = tpu.vector_load %arg11[%swap3A_148, %swap3A_149] {strides = array<i32>} : memref<8x128xf32, #tpu.memory_space<vmem>>, vector<1x16xf32>,
    %swap3A_151 = vector.shape_cast %swap3A_150 : vector<1x16xf32> to vector<16xf32>
    %swap3A_152 = vector.shape_cast %scan3A_38#2 : vector<16xf32> to vector<1x16xf32>
    tpu.vector_store %arg11[%swap3A_148, %swap3A_149], %swap3A_152 {strides = array<i32>} : memref<8x128xf32, #tpu.memory_space<vmem>>, vector<1x16xf32>,
    %swap3A_153 = arith.constant 2 : i32
    %swap3A_154 = arith.index_cast %swap3A_153 : i32 to index
    %swap3A_155 = arith.constant 48 : index
    %swap3A_156 = tpu.vector_load %arg11[%swap3A_154, %swap3A_155] {strides = array<i32>} : memref<8x128xf32, #tpu.memory_space<vmem>>, vector<1x16xf32>,
    %swap3A_157 = vector.shape_cast %swap3A_156 : vector<1x16xf32> to vector<16xf32>
    %swap3A_158 = vector.shape_cast %scan3A_38#3 : vector<16xf32> to vector<1x16xf32>
    tpu.vector_store %arg11[%swap3A_154, %swap3A_155], %swap3A_158 {strides = array<i32>} : memref<8x128xf32, #tpu.memory_space<vmem>>, vector<1x16xf32>,
    %swap3A_159 = arith.constant 2 : i32
    %swap3A_160 = arith.index_cast %swap3A_159 : i32 to index
    %swap3A_161 = arith.constant 64 : index
    %swap3A_162 = tpu.vector_load %arg11[%swap3A_160, %swap3A_161] {strides = array<i32>} : memref<8x128xf32, #tpu.memory_space<vmem>>, vector<1x16xf32>,
    %swap3A_163 = vector.shape_cast %swap3A_162 : vector<1x16xf32> to vector<16xf32>
    %swap3A_164 = vector.shape_cast %scan3A_38#4 : vector<16xf32> to vector<1x16xf32>
    tpu.vector_store %arg11[%swap3A_160, %swap3A_161], %swap3A_164 {strides = array<i32>} : memref<8x128xf32, #tpu.memory_space<vmem>>, vector<1x16xf32>,
    %swap3A_165 = arith.constant 2 : i32
    %swap3A_166 = arith.index_cast %swap3A_165 : i32 to index
    %swap3A_167 = arith.constant 80 : index
    %swap3A_168 = tpu.vector_load %arg11[%swap3A_166, %swap3A_167] {strides = array<i32>} : memref<8x128xf32, #tpu.memory_space<vmem>>, vector<1x16xf32>,
    %swap3A_169 = vector.shape_cast %swap3A_168 : vector<1x16xf32> to vector<16xf32>
    %swap3A_170 = vector.shape_cast %scan3A_38#5 : vector<16xf32> to vector<1x16xf32>
    tpu.vector_store %arg11[%swap3A_166, %swap3A_167], %swap3A_170 {strides = array<i32>} : memref<8x128xf32, #tpu.memory_space<vmem>>, vector<1x16xf32>,
    %swap3A_171 = arith.constant 2 : i32
    %swap3A_172 = arith.index_cast %swap3A_171 : i32 to index
    %swap3A_173 = arith.constant 96 : index
    %swap3A_174 = tpu.vector_load %arg11[%swap3A_172, %swap3A_173] {strides = array<i32>} : memref<8x128xf32, #tpu.memory_space<vmem>>, vector<1x16xf32>,
    %swap3A_175 = vector.shape_cast %swap3A_174 : vector<1x16xf32> to vector<16xf32>
    %swap3A_176 = vector.shape_cast %scan3A_38#6 : vector<16xf32> to vector<1x16xf32>
    tpu.vector_store %arg11[%swap3A_172, %swap3A_173], %swap3A_176 {strides = array<i32>} : memref<8x128xf32, #tpu.memory_space<vmem>>, vector<1x16xf32>,
    %swap3A_177 = arith.constant 2 : i32
    %swap3A_178 = arith.index_cast %swap3A_177 : i32 to index
    %swap3A_179 = arith.constant 112 : index
    %swap3A_180 = tpu.vector_load %arg11[%swap3A_178, %swap3A_179] {strides = array<i32>} : memref<8x128xf32, #tpu.memory_space<vmem>>, vector<1x16xf32>,
    %swap3A_181 = vector.shape_cast %swap3A_180 : vector<1x16xf32> to vector<16xf32>
    %swap3A_182 = vector.shape_cast %scan3A_38#7 : vector<16xf32> to vector<1x16xf32>
    tpu.vector_store %arg11[%swap3A_178, %swap3A_179], %swap3A_182 {strides = array<i32>} : memref<8x128xf32, #tpu.memory_space<vmem>>, vector<1x16xf32>,
    %swap3A_183 = arith.constant 3 : i32
    %swap3A_184 = arith.index_cast %swap3A_183 : i32 to index
    %swap3A_185 = arith.constant 0 : index
    %swap3A_186 = tpu.vector_load %arg11[%swap3A_184, %swap3A_185] {strides = array<i32>} : memref<8x128xf32, #tpu.memory_space<vmem>>, vector<1x16xf32>,
    %swap3A_187 = vector.shape_cast %swap3A_186 : vector<1x16xf32> to vector<16xf32>
    %swap3A_188 = vector.shape_cast %scan3A_38#0 : vector<16xf32> to vector<1x16xf32>
    tpu.vector_store %arg11[%swap3A_184, %swap3A_185], %swap3A_188 {strides = array<i32>} : memref<8x128xf32, #tpu.memory_space<vmem>>, vector<1x16xf32>,
    %swap3A_189 = arith.constant 3 : i32
    %swap3A_190 = arith.index_cast %swap3A_189 : i32 to index
    %swap3A_191 = arith.constant 16 : index
    %swap3A_192 = tpu.vector_load %arg11[%swap3A_190, %swap3A_191] {strides = array<i32>} : memref<8x128xf32, #tpu.memory_space<vmem>>, vector<1x16xf32>,
    %swap3A_193 = vector.shape_cast %swap3A_192 : vector<1x16xf32> to vector<16xf32>
    %swap3A_194 = vector.shape_cast %scan3A_38#1 : vector<16xf32> to vector<1x16xf32>
    tpu.vector_store %arg11[%swap3A_190, %swap3A_191], %swap3A_194 {strides = array<i32>} : memref<8x128xf32, #tpu.memory_space<vmem>>, vector<1x16xf32>,
    %swap3A_195 = arith.constant 3 : i32
    %swap3A_196 = arith.index_cast %swap3A_195 : i32 to index
    %swap3A_197 = arith.constant 32 : index
    %swap3A_198 = tpu.vector_load %arg11[%swap3A_196, %swap3A_197] {strides = array<i32>} : memref<8x128xf32, #tpu.memory_space<vmem>>, vector<1x16xf32>,
    %swap3A_199 = vector.shape_cast %swap3A_198 : vector<1x16xf32> to vector<16xf32>
    %swap3A_200 = vector.shape_cast %scan3A_38#2 : vector<16xf32> to vector<1x16xf32>
    tpu.vector_store %arg11[%swap3A_196, %swap3A_197], %swap3A_200 {strides = array<i32>} : memref<8x128xf32, #tpu.memory_space<vmem>>, vector<1x16xf32>,
    %swap3A_201 = arith.constant 3 : i32
    %swap3A_202 = arith.index_cast %swap3A_201 : i32 to index
    %swap3A_203 = arith.constant 48 : index
    %swap3A_204 = tpu.vector_load %arg11[%swap3A_202, %swap3A_203] {strides = array<i32>} : memref<8x128xf32, #tpu.memory_space<vmem>>, vector<1x16xf32>,
    %swap3A_205 = vector.shape_cast %swap3A_204 : vector<1x16xf32> to vector<16xf32>
    %swap3A_206 = vector.shape_cast %scan3A_38#3 : vector<16xf32> to vector<1x16xf32>
    tpu.vector_store %arg11[%swap3A_202, %swap3A_203], %swap3A_206 {strides = array<i32>} : memref<8x128xf32, #tpu.memory_space<vmem>>, vector<1x16xf32>,
    %swap3A_207 = arith.constant 3 : i32
    %swap3A_208 = arith.index_cast %swap3A_207 : i32 to index
    %swap3A_209 = arith.constant 64 : index
    %swap3A_210 = tpu.vector_load %arg11[%swap3A_208, %swap3A_209] {strides = array<i32>} : memref<8x128xf32, #tpu.memory_space<vmem>>, vector<1x16xf32>,
    %swap3A_211 = vector.shape_cast %swap3A_210 : vector<1x16xf32> to vector<16xf32>
    %swap3A_212 = vector.shape_cast %scan3A_38#4 : vector<16xf32> to vector<1x16xf32>
    tpu.vector_store %arg11[%swap3A_208, %swap3A_209], %swap3A_212 {strides = array<i32>} : memref<8x128xf32, #tpu.memory_space<vmem>>, vector<1x16xf32>,
    %swap3A_213 = arith.constant 3 : i32
    %swap3A_214 = arith.index_cast %swap3A_213 : i32 to index
    %swap3A_215 = arith.constant 80 : index
    %swap3A_216 = tpu.vector_load %arg11[%swap3A_214, %swap3A_215] {strides = array<i32>} : memref<8x128xf32, #tpu.memory_space<vmem>>, vector<1x16xf32>,
    %swap3A_217 = vector.shape_cast %swap3A_216 : vector<1x16xf32> to vector<16xf32>
    %swap3A_218 = vector.shape_cast %scan3A_38#5 : vector<16xf32> to vector<1x16xf32>
    tpu.vector_store %arg11[%swap3A_214, %swap3A_215], %swap3A_218 {strides = array<i32>} : memref<8x128xf32, #tpu.memory_space<vmem>>, vector<1x16xf32>,
    %swap3A_219 = arith.constant 3 : i32
    %swap3A_220 = arith.index_cast %swap3A_219 : i32 to index
    %swap3A_221 = arith.constant 96 : index
    %swap3A_222 = tpu.vector_load %arg11[%swap3A_220, %swap3A_221] {strides = array<i32>} : memref<8x128xf32, #tpu.memory_space<vmem>>, vector<1x16xf32>,
    %swap3A_223 = vector.shape_cast %swap3A_222 : vector<1x16xf32> to vector<16xf32>
    %swap3A_224 = vector.shape_cast %scan3A_38#6 : vector<16xf32> to vector<1x16xf32>
    tpu.vector_store %arg11[%swap3A_220, %swap3A_221], %swap3A_224 {strides = array<i32>} : memref<8x128xf32, #tpu.memory_space<vmem>>, vector<1x16xf32>,
    %swap3A_225 = arith.constant 3 : i32
    %swap3A_226 = arith.index_cast %swap3A_225 : i32 to index
    %swap3A_227 = arith.constant 112 : index
    %swap3A_228 = tpu.vector_load %arg11[%swap3A_226, %swap3A_227] {strides = array<i32>} : memref<8x128xf32, #tpu.memory_space<vmem>>, vector<1x16xf32>,
    %swap3A_229 = vector.shape_cast %swap3A_228 : vector<1x16xf32> to vector<16xf32>
    %swap3A_230 = vector.shape_cast %scan3A_38#7 : vector<16xf32> to vector<1x16xf32>
    tpu.vector_store %arg11[%swap3A_226, %swap3A_227], %swap3A_230 {strides = array<i32>} : memref<8x128xf32, #tpu.memory_space<vmem>>, vector<1x16xf32>,
    %swap3A_231 = arith.constant 4 : i32
    %swap3A_232 = arith.index_cast %swap3A_231 : i32 to index
    %swap3A_233 = arith.constant 0 : index
    %swap3A_234 = tpu.vector_load %arg11[%swap3A_232, %swap3A_233] {strides = array<i32>} : memref<8x128xf32, #tpu.memory_space<vmem>>, vector<1x16xf32>,
    %swap3A_235 = vector.shape_cast %swap3A_234 : vector<1x16xf32> to vector<16xf32>
    %swap3A_236 = vector.shape_cast %scan3A_38#0 : vector<16xf32> to vector<1x16xf32>
    tpu.vector_store %arg11[%swap3A_232, %swap3A_233], %swap3A_236 {strides = array<i32>} : memref<8x128xf32, #tpu.memory_space<vmem>>, vector<1x16xf32>,
    %swap3A_237 = arith.constant 4 : i32
    %swap3A_238 = arith.index_cast %swap3A_237 : i32 to index
    %swap3A_239 = arith.constant 16 : index
    %swap3A_240 = tpu.vector_load %arg11[%swap3A_238, %swap3A_239] {strides = array<i32>} : memref<8x128xf32, #tpu.memory_space<vmem>>, vector<1x16xf32>,
    %swap3A_241 = vector.shape_cast %swap3A_240 : vector<1x16xf32> to vector<16xf32>
    %swap3A_242 = vector.shape_cast %scan3A_38#1 : vector<16xf32> to vector<1x16xf32>
    tpu.vector_store %arg11[%swap3A_238, %swap3A_239], %swap3A_242 {strides = array<i32>} : memref<8x128xf32, #tpu.memory_space<vmem>>, vector<1x16xf32>,
    %swap3A_243 = arith.constant 4 : i32
    %swap3A_244 = arith.index_cast %swap3A_243 : i32 to index
    %swap3A_245 = arith.constant 32 : index
    %swap3A_246 = tpu.vector_load %arg11[%swap3A_244, %swap3A_245] {strides = array<i32>} : memref<8x128xf32, #tpu.memory_space<vmem>>, vector<1x16xf32>,
    %swap3A_247 = vector.shape_cast %swap3A_246 : vector<1x16xf32> to vector<16xf32>
    %swap3A_248 = vector.shape_cast %scan3A_38#2 : vector<16xf32> to vector<1x16xf32>
    tpu.vector_store %arg11[%swap3A_244, %swap3A_245], %swap3A_248 {strides = array<i32>} : memref<8x128xf32, #tpu.memory_space<vmem>>, vector<1x16xf32>,
    %swap3A_249 = arith.constant 4 : i32
    %swap3A_250 = arith.index_cast %swap3A_249 : i32 to index
    %swap3A_251 = arith.constant 48 : index
    %swap3A_252 = tpu.vector_load %arg11[%swap3A_250, %swap3A_251] {strides = array<i32>} : memref<8x128xf32, #tpu.memory_space<vmem>>, vector<1x16xf32>,
    %swap3A_253 = vector.shape_cast %swap3A_252 : vector<1x16xf32> to vector<16xf32>
    %swap3A_254 = vector.shape_cast %scan3A_38#3 : vector<16xf32> to vector<1x16xf32>
    tpu.vector_store %arg11[%swap3A_250, %swap3A_251], %swap3A_254 {strides = array<i32>} : memref<8x128xf32, #tpu.memory_space<vmem>>, vector<1x16xf32>,
    %swap3A_255 = arith.constant 4 : i32
    %swap3A_256 = arith.index_cast %swap3A_255 : i32 to index
    %swap3A_257 = arith.constant 64 : index
    %swap3A_258 = tpu.vector_load %arg11[%swap3A_256, %swap3A_257] {strides = array<i32>} : memref<8x128xf32, #tpu.memory_space<vmem>>, vector<1x16xf32>,
    %swap3A_259 = vector.shape_cast %swap3A_258 : vector<1x16xf32> to vector<16xf32>
    %swap3A_260 = vector.shape_cast %scan3A_38#4 : vector<16xf32> to vector<1x16xf32>
    tpu.vector_store %arg11[%swap3A_256, %swap3A_257], %swap3A_260 {strides = array<i32>} : memref<8x128xf32, #tpu.memory_space<vmem>>, vector<1x16xf32>,
    %swap3A_261 = arith.constant 4 : i32
    %swap3A_262 = arith.index_cast %swap3A_261 : i32 to index
    %swap3A_263 = arith.constant 80 : index
    %swap3A_264 = tpu.vector_load %arg11[%swap3A_262, %swap3A_263] {strides = array<i32>} : memref<8x128xf32, #tpu.memory_space<vmem>>, vector<1x16xf32>,
    %swap3A_265 = vector.shape_cast %swap3A_264 : vector<1x16xf32> to vector<16xf32>
    %swap3A_266 = vector.shape_cast %scan3A_38#5 : vector<16xf32> to vector<1x16xf32>
    tpu.vector_store %arg11[%swap3A_262, %swap3A_263], %swap3A_266 {strides = array<i32>} : memref<8x128xf32, #tpu.memory_space<vmem>>, vector<1x16xf32>,
    %swap3A_267 = arith.constant 4 : i32
    %swap3A_268 = arith.index_cast %swap3A_267 : i32 to index
    %swap3A_269 = arith.constant 96 : index
    %swap3A_270 = tpu.vector_load %arg11[%swap3A_268, %swap3A_269] {strides = array<i32>} : memref<8x128xf32, #tpu.memory_space<vmem>>, vector<1x16xf32>,
    %swap3A_271 = vector.shape_cast %swap3A_270 : vector<1x16xf32> to vector<16xf32>
    %swap3A_272 = vector.shape_cast %scan3A_38#6 : vector<16xf32> to vector<1x16xf32>
    tpu.vector_store %arg11[%swap3A_268, %swap3A_269], %swap3A_272 {strides = array<i32>} : memref<8x128xf32, #tpu.memory_space<vmem>>, vector<1x16xf32>,
    %swap3A_273 = arith.constant 4 : i32
    %swap3A_274 = arith.index_cast %swap3A_273 : i32 to index
    %swap3A_275 = arith.constant 112 : index
    %swap3A_276 = tpu.vector_load %arg11[%swap3A_274, %swap3A_275] {strides = array<i32>} : memref<8x128xf32, #tpu.memory_space<vmem>>, vector<1x16xf32>,
    %swap3A_277 = vector.shape_cast %swap3A_276 : vector<1x16xf32> to vector<16xf32>
    %swap3A_278 = vector.shape_cast %scan3A_38#7 : vector<16xf32> to vector<1x16xf32>
    tpu.vector_store %arg11[%swap3A_274, %swap3A_275], %swap3A_278 {strides = array<i32>} : memref<8x128xf32, #tpu.memory_space<vmem>>, vector<1x16xf32>,
    %swap3A_279 = arith.constant 5 : i32
    %swap3A_280 = arith.index_cast %swap3A_279 : i32 to index
    %swap3A_281 = arith.constant 0 : index
    %swap3A_282 = tpu.vector_load %arg11[%swap3A_280, %swap3A_281] {strides = array<i32>} : memref<8x128xf32, #tpu.memory_space<vmem>>, vector<1x16xf32>,
    %swap3A_283 = vector.shape_cast %swap3A_282 : vector<1x16xf32> to vector<16xf32>
    %swap3A_284 = vector.shape_cast %scan3A_38#0 : vector<16xf32> to vector<1x16xf32>
    tpu.vector_store %arg11[%swap3A_280, %swap3A_281], %swap3A_284 {strides = array<i32>} : memref<8x128xf32, #tpu.memory_space<vmem>>, vector<1x16xf32>,
    %swap3A_285 = arith.constant 5 : i32
    %swap3A_286 = arith.index_cast %swap3A_285 : i32 to index
    %swap3A_287 = arith.constant 16 : index
    %swap3A_288 = tpu.vector_load %arg11[%swap3A_286, %swap3A_287] {strides = array<i32>} : memref<8x128xf32, #tpu.memory_space<vmem>>, vector<1x16xf32>,
    %swap3A_289 = vector.shape_cast %swap3A_288 : vector<1x16xf32> to vector<16xf32>
    %swap3A_290 = vector.shape_cast %scan3A_38#1 : vector<16xf32> to vector<1x16xf32>
    tpu.vector_store %arg11[%swap3A_286, %swap3A_287], %swap3A_290 {strides = array<i32>} : memref<8x128xf32, #tpu.memory_space<vmem>>, vector<1x16xf32>,
    %swap3A_291 = arith.constant 5 : i32
    %swap3A_292 = arith.index_cast %swap3A_291 : i32 to index
    %swap3A_293 = arith.constant 32 : index
    %swap3A_294 = tpu.vector_load %arg11[%swap3A_292, %swap3A_293] {strides = array<i32>} : memref<8x128xf32, #tpu.memory_space<vmem>>, vector<1x16xf32>,
    %swap3A_295 = vector.shape_cast %swap3A_294 : vector<1x16xf32> to vector<16xf32>
    %swap3A_296 = vector.shape_cast %scan3A_38#2 : vector<16xf32> to vector<1x16xf32>
    tpu.vector_store %arg11[%swap3A_292, %swap3A_293], %swap3A_296 {strides = array<i32>} : memref<8x128xf32, #tpu.memory_space<vmem>>, vector<1x16xf32>,
    %swap3A_297 = arith.constant 5 : i32
    %swap3A_298 = arith.index_cast %swap3A_297 : i32 to index
    %swap3A_299 = arith.constant 48 : index
    %swap3A_300 = tpu.vector_load %arg11[%swap3A_298, %swap3A_299] {strides = array<i32>} : memref<8x128xf32, #tpu.memory_space<vmem>>, vector<1x16xf32>,
    %swap3A_301 = vector.shape_cast %swap3A_300 : vector<1x16xf32> to vector<16xf32>
    %swap3A_302 = vector.shape_cast %scan3A_38#3 : vector<16xf32> to vector<1x16xf32>
    tpu.vector_store %arg11[%swap3A_298, %swap3A_299], %swap3A_302 {strides = array<i32>} : memref<8x128xf32, #tpu.memory_space<vmem>>, vector<1x16xf32>,
    %swap3A_303 = arith.constant 5 : i32
    %swap3A_304 = arith.index_cast %swap3A_303 : i32 to index
    %swap3A_305 = arith.constant 64 : index
    %swap3A_306 = tpu.vector_load %arg11[%swap3A_304, %swap3A_305] {strides = array<i32>} : memref<8x128xf32, #tpu.memory_space<vmem>>, vector<1x16xf32>,
    %swap3A_307 = vector.shape_cast %swap3A_306 : vector<1x16xf32> to vector<16xf32>
    %swap3A_308 = vector.shape_cast %scan3A_38#4 : vector<16xf32> to vector<1x16xf32>
    tpu.vector_store %arg11[%swap3A_304, %swap3A_305], %swap3A_308 {strides = array<i32>} : memref<8x128xf32, #tpu.memory_space<vmem>>, vector<1x16xf32>,
    %swap3A_309 = arith.constant 5 : i32
    %swap3A_310 = arith.index_cast %swap3A_309 : i32 to index
    %swap3A_311 = arith.constant 80 : index
    %swap3A_312 = tpu.vector_load %arg11[%swap3A_310, %swap3A_311] {strides = array<i32>} : memref<8x128xf32, #tpu.memory_space<vmem>>, vector<1x16xf32>,
    %swap3A_313 = vector.shape_cast %swap3A_312 : vector<1x16xf32> to vector<16xf32>
    %swap3A_314 = vector.shape_cast %scan3A_38#5 : vector<16xf32> to vector<1x16xf32>
    tpu.vector_store %arg11[%swap3A_310, %swap3A_311], %swap3A_314 {strides = array<i32>} : memref<8x128xf32, #tpu.memory_space<vmem>>, vector<1x16xf32>,
    %swap3A_315 = arith.constant 5 : i32
    %swap3A_316 = arith.index_cast %swap3A_315 : i32 to index
    %swap3A_317 = arith.constant 96 : index
    %swap3A_318 = tpu.vector_load %arg11[%swap3A_316, %swap3A_317] {strides = array<i32>} : memref<8x128xf32, #tpu.memory_space<vmem>>, vector<1x16xf32>,
    %swap3A_319 = vector.shape_cast %swap3A_318 : vector<1x16xf32> to vector<16xf32>
    %swap3A_320 = vector.shape_cast %scan3A_38#6 : vector<16xf32> to vector<1x16xf32>
    tpu.vector_store %arg11[%swap3A_316, %swap3A_317], %swap3A_320 {strides = array<i32>} : memref<8x128xf32, #tpu.memory_space<vmem>>, vector<1x16xf32>,
    %swap3A_321 = arith.constant 5 : i32
    %swap3A_322 = arith.index_cast %swap3A_321 : i32 to index
    %swap3A_323 = arith.constant 112 : index
    %swap3A_324 = tpu.vector_load %arg11[%swap3A_322, %swap3A_323] {strides = array<i32>} : memref<8x128xf32, #tpu.memory_space<vmem>>, vector<1x16xf32>,
    %swap3A_325 = vector.shape_cast %swap3A_324 : vector<1x16xf32> to vector<16xf32>
    %swap3A_326 = vector.shape_cast %scan3A_38#7 : vector<16xf32> to vector<1x16xf32>
    tpu.vector_store %arg11[%swap3A_322, %swap3A_323], %swap3A_326 {strides = array<i32>} : memref<8x128xf32, #tpu.memory_space<vmem>>, vector<1x16xf32>,
    %swap3A_327 = arith.constant 6 : i32
    %swap3A_328 = arith.index_cast %swap3A_327 : i32 to index
    %swap3A_329 = arith.constant 0 : index
    %swap3A_330 = tpu.vector_load %arg11[%swap3A_328, %swap3A_329] {strides = array<i32>} : memref<8x128xf32, #tpu.memory_space<vmem>>, vector<1x16xf32>,
    %swap3A_331 = vector.shape_cast %swap3A_330 : vector<1x16xf32> to vector<16xf32>
    %swap3A_332 = vector.shape_cast %scan3A_38#0 : vector<16xf32> to vector<1x16xf32>
    tpu.vector_store %arg11[%swap3A_328, %swap3A_329], %swap3A_332 {strides = array<i32>} : memref<8x128xf32, #tpu.memory_space<vmem>>, vector<1x16xf32>,
    %swap3A_333 = arith.constant 6 : i32
    %swap3A_334 = arith.index_cast %swap3A_333 : i32 to index
    %swap3A_335 = arith.constant 16 : index
    %swap3A_336 = tpu.vector_load %arg11[%swap3A_334, %swap3A_335] {strides = array<i32>} : memref<8x128xf32, #tpu.memory_space<vmem>>, vector<1x16xf32>,
    %swap3A_337 = vector.shape_cast %swap3A_336 : vector<1x16xf32> to vector<16xf32>
    %swap3A_338 = vector.shape_cast %scan3A_38#1 : vector<16xf32> to vector<1x16xf32>
    tpu.vector_store %arg11[%swap3A_334, %swap3A_335], %swap3A_338 {strides = array<i32>} : memref<8x128xf32, #tpu.memory_space<vmem>>, vector<1x16xf32>,
    %swap3A_339 = arith.constant 6 : i32
    %swap3A_340 = arith.index_cast %swap3A_339 : i32 to index
    %swap3A_341 = arith.constant 32 : index
    %swap3A_342 = tpu.vector_load %arg11[%swap3A_340, %swap3A_341] {strides = array<i32>} : memref<8x128xf32, #tpu.memory_space<vmem>>, vector<1x16xf32>,
    %swap3A_343 = vector.shape_cast %swap3A_342 : vector<1x16xf32> to vector<16xf32>
    %swap3A_344 = vector.shape_cast %scan3A_38#2 : vector<16xf32> to vector<1x16xf32>
    tpu.vector_store %arg11[%swap3A_340, %swap3A_341], %swap3A_344 {strides = array<i32>} : memref<8x128xf32, #tpu.memory_space<vmem>>, vector<1x16xf32>,
    %swap3A_345 = arith.constant 6 : i32
    %swap3A_346 = arith.index_cast %swap3A_345 : i32 to index
    %swap3A_347 = arith.constant 48 : index
    %swap3A_348 = tpu.vector_load %arg11[%swap3A_346, %swap3A_347] {strides = array<i32>} : memref<8x128xf32, #tpu.memory_space<vmem>>, vector<1x16xf32>,
    %swap3A_349 = vector.shape_cast %swap3A_348 : vector<1x16xf32> to vector<16xf32>
    %swap3A_350 = vector.shape_cast %scan3A_38#3 : vector<16xf32> to vector<1x16xf32>
    tpu.vector_store %arg11[%swap3A_346, %swap3A_347], %swap3A_350 {strides = array<i32>} : memref<8x128xf32, #tpu.memory_space<vmem>>, vector<1x16xf32>,
    %swap3A_351 = arith.constant 6 : i32
    %swap3A_352 = arith.index_cast %swap3A_351 : i32 to index
    %swap3A_353 = arith.constant 64 : index
    %swap3A_354 = tpu.vector_load %arg11[%swap3A_352, %swap3A_353] {strides = array<i32>} : memref<8x128xf32, #tpu.memory_space<vmem>>, vector<1x16xf32>,
    %swap3A_355 = vector.shape_cast %swap3A_354 : vector<1x16xf32> to vector<16xf32>
    %swap3A_356 = vector.shape_cast %scan3A_38#4 : vector<16xf32> to vector<1x16xf32>
    tpu.vector_store %arg11[%swap3A_352, %swap3A_353], %swap3A_356 {strides = array<i32>} : memref<8x128xf32, #tpu.memory_space<vmem>>, vector<1x16xf32>,
    %swap3A_357 = arith.constant 6 : i32
    %swap3A_358 = arith.index_cast %swap3A_357 : i32 to index
    %swap3A_359 = arith.constant 80 : index
    %swap3A_360 = tpu.vector_load %arg11[%swap3A_358, %swap3A_359] {strides = array<i32>} : memref<8x128xf32, #tpu.memory_space<vmem>>, vector<1x16xf32>,
    %swap3A_361 = vector.shape_cast %swap3A_360 : vector<1x16xf32> to vector<16xf32>
    %swap3A_362 = vector.shape_cast %scan3A_38#5 : vector<16xf32> to vector<1x16xf32>
    tpu.vector_store %arg11[%swap3A_358, %swap3A_359], %swap3A_362 {strides = array<i32>} : memref<8x128xf32, #tpu.memory_space<vmem>>, vector<1x16xf32>,
    %swap3A_363 = arith.constant 6 : i32
    %swap3A_364 = arith.index_cast %swap3A_363 : i32 to index
    %swap3A_365 = arith.constant 96 : index
    %swap3A_366 = tpu.vector_load %arg11[%swap3A_364, %swap3A_365] {strides = array<i32>} : memref<8x128xf32, #tpu.memory_space<vmem>>, vector<1x16xf32>,
    %swap3A_367 = vector.shape_cast %swap3A_366 : vector<1x16xf32> to vector<16xf32>
    %swap3A_368 = vector.shape_cast %scan3A_38#6 : vector<16xf32> to vector<1x16xf32>
    tpu.vector_store %arg11[%swap3A_364, %swap3A_365], %swap3A_368 {strides = array<i32>} : memref<8x128xf32, #tpu.memory_space<vmem>>, vector<1x16xf32>,
    %swap3A_369 = arith.constant 6 : i32
    %swap3A_370 = arith.index_cast %swap3A_369 : i32 to index
    %swap3A_371 = arith.constant 112 : index
    %swap3A_372 = tpu.vector_load %arg11[%swap3A_370, %swap3A_371] {strides = array<i32>} : memref<8x128xf32, #tpu.memory_space<vmem>>, vector<1x16xf32>,
    %swap3A_373 = vector.shape_cast %swap3A_372 : vector<1x16xf32> to vector<16xf32>
    %swap3A_374 = vector.shape_cast %scan3A_38#7 : vector<16xf32> to vector<1x16xf32>
    tpu.vector_store %arg11[%swap3A_370, %swap3A_371], %swap3A_374 {strides = array<i32>} : memref<8x128xf32, #tpu.memory_space<vmem>>, vector<1x16xf32>,
    %swap3A_375 = arith.constant 7 : i32
    %swap3A_376 = arith.index_cast %swap3A_375 : i32 to index
    %swap3A_377 = arith.constant 0 : index
    %swap3A_378 = tpu.vector_load %arg11[%swap3A_376, %swap3A_377] {strides = array<i32>} : memref<8x128xf32, #tpu.memory_space<vmem>>, vector<1x16xf32>,
    %swap3A_379 = vector.shape_cast %swap3A_378 : vector<1x16xf32> to vector<16xf32>
    %swap3A_380 = vector.shape_cast %scan3A_38#0 : vector<16xf32> to vector<1x16xf32>
    tpu.vector_store %arg11[%swap3A_376, %swap3A_377], %swap3A_380 {strides = array<i32>} : memref<8x128xf32, #tpu.memory_space<vmem>>, vector<1x16xf32>,
    %swap3A_381 = arith.constant 7 : i32
    %swap3A_382 = arith.index_cast %swap3A_381 : i32 to index
    %swap3A_383 = arith.constant 16 : index
    %swap3A_384 = tpu.vector_load %arg11[%swap3A_382, %swap3A_383] {strides = array<i32>} : memref<8x128xf32, #tpu.memory_space<vmem>>, vector<1x16xf32>,
    %swap3A_385 = vector.shape_cast %swap3A_384 : vector<1x16xf32> to vector<16xf32>
    %swap3A_386 = vector.shape_cast %scan3A_38#1 : vector<16xf32> to vector<1x16xf32>
    tpu.vector_store %arg11[%swap3A_382, %swap3A_383], %swap3A_386 {strides = array<i32>} : memref<8x128xf32, #tpu.memory_space<vmem>>, vector<1x16xf32>,
    %swap3A_387 = arith.constant 7 : i32
    %swap3A_388 = arith.index_cast %swap3A_387 : i32 to index
    %swap3A_389 = arith.constant 32 : index
    %swap3A_390 = tpu.vector_load %arg11[%swap3A_388, %swap3A_389] {strides = array<i32>} : memref<8x128xf32, #tpu.memory_space<vmem>>, vector<1x16xf32>,
    %swap3A_391 = vector.shape_cast %swap3A_390 : vector<1x16xf32> to vector<16xf32>
    %swap3A_392 = vector.shape_cast %scan3A_38#2 : vector<16xf32> to vector<1x16xf32>
    tpu.vector_store %arg11[%swap3A_388, %swap3A_389], %swap3A_392 {strides = array<i32>} : memref<8x128xf32, #tpu.memory_space<vmem>>, vector<1x16xf32>,
    %swap3A_393 = arith.constant 7 : i32
    %swap3A_394 = arith.index_cast %swap3A_393 : i32 to index
    %swap3A_395 = arith.constant 48 : index
    %swap3A_396 = tpu.vector_load %arg11[%swap3A_394, %swap3A_395] {strides = array<i32>} : memref<8x128xf32, #tpu.memory_space<vmem>>, vector<1x16xf32>,
    %swap3A_397 = vector.shape_cast %swap3A_396 : vector<1x16xf32> to vector<16xf32>
    %swap3A_398 = vector.shape_cast %scan3A_38#3 : vector<16xf32> to vector<1x16xf32>
    tpu.vector_store %arg11[%swap3A_394, %swap3A_395], %swap3A_398 {strides = array<i32>} : memref<8x128xf32, #tpu.memory_space<vmem>>, vector<1x16xf32>,
    %swap3A_399 = arith.constant 7 : i32
    %swap3A_400 = arith.index_cast %swap3A_399 : i32 to index
    %swap3A_401 = arith.constant 64 : index
    %swap3A_402 = tpu.vector_load %arg11[%swap3A_400, %swap3A_401] {strides = array<i32>} : memref<8x128xf32, #tpu.memory_space<vmem>>, vector<1x16xf32>,
    %swap3A_403 = vector.shape_cast %swap3A_402 : vector<1x16xf32> to vector<16xf32>
    %swap3A_404 = vector.shape_cast %scan3A_38#4 : vector<16xf32> to vector<1x16xf32>
    tpu.vector_store %arg11[%swap3A_400, %swap3A_401], %swap3A_404 {strides = array<i32>} : memref<8x128xf32, #tpu.memory_space<vmem>>, vector<1x16xf32>,
    %swap3A_405 = arith.constant 7 : i32
    %swap3A_406 = arith.index_cast %swap3A_405 : i32 to index
    %swap3A_407 = arith.constant 80 : index
    %swap3A_408 = tpu.vector_load %arg11[%swap3A_406, %swap3A_407] {strides = array<i32>} : memref<8x128xf32, #tpu.memory_space<vmem>>, vector<1x16xf32>,
    %swap3A_409 = vector.shape_cast %swap3A_408 : vector<1x16xf32> to vector<16xf32>
    %swap3A_410 = vector.shape_cast %scan3A_38#5 : vector<16xf32> to vector<1x16xf32>
    tpu.vector_store %arg11[%swap3A_406, %swap3A_407], %swap3A_410 {strides = array<i32>} : memref<8x128xf32, #tpu.memory_space<vmem>>, vector<1x16xf32>,
    %swap3A_411 = arith.constant 7 : i32
    %swap3A_412 = arith.index_cast %swap3A_411 : i32 to index
    %swap3A_413 = arith.constant 96 : index
    %swap3A_414 = tpu.vector_load %arg11[%swap3A_412, %swap3A_413] {strides = array<i32>} : memref<8x128xf32, #tpu.memory_space<vmem>>, vector<1x16xf32>,
    %swap3A_415 = vector.shape_cast %swap3A_414 : vector<1x16xf32> to vector<16xf32>
    %swap3A_416 = vector.shape_cast %scan3A_38#6 : vector<16xf32> to vector<1x16xf32>
    tpu.vector_store %arg11[%swap3A_412, %swap3A_413], %swap3A_416 {strides = array<i32>} : memref<8x128xf32, #tpu.memory_space<vmem>>, vector<1x16xf32>,
    %swap3A_417 = arith.constant 7 : i32
    %swap3A_418 = arith.index_cast %swap3A_417 : i32 to index
    %swap3A_419 = arith.constant 112 : index
    %swap3A_420 = tpu.vector_load %arg11[%swap3A_418, %swap3A_419] {strides = array<i32>} : memref<8x128xf32, #tpu.memory_space<vmem>>, vector<1x16xf32>,
    %swap3A_421 = vector.shape_cast %swap3A_420 : vector<1x16xf32> to vector<16xf32>
    %swap3A_422 = vector.shape_cast %scan3A_38#7 : vector<16xf32> to vector<1x16xf32>
    tpu.vector_store %arg11[%swap3A_418, %swap3A_419], %swap3A_422 {strides = array<i32>} : memref<8x128xf32, #tpu.memory_space<vmem>>, vector<1x16xf32>,
    %mul3A_423 = arith.constant 8 : i32
    %mul3A_424 = arith.muli %add3A, %mul3A_423 : i32
    "tpu.region"() ({
      %run_scoped3A = tpu.sem_alloc : memref<!tpu.dma_semaphore, #tpu.memory_space<semaphore_mem>>
      %dma_start3A_425 = arith.constant 0 : i32
      %dma_start3A_426 = tpu.memref_slice %arg5[%mul3A_424, %dma_start3A_425] : memref<256x128xf32, #tpu.memory_space<hbm>> -> memref<8x128xf32, #tpu.memory_space<hbm>>
      %dma_start3A_427 = arith.constant 0 : i32
      %dma_start3A_428 = tpu.memref_slice %arg5[%mul3A_424, %dma_start3A_427] : memref<256x128xf32, #tpu.memory_space<hbm>> -> memref<8x128xf32, #tpu.memory_space<hbm>>
      tpu.enqueue_dma source(%arg11 : memref<8x128xf32, #tpu.memory_space<vmem>>) target(%dma_start3A_428 : memref<8x128xf32, #tpu.memory_space<hbm>>) target_semaphore(%run_scoped3A : memref<!tpu.dma_semaphore, #tpu.memory_space<semaphore_mem>>)
      %dma_wait3A = arith.constant 0 : i32
      %dma_wait3A_429 = tpu.memref_slice %arg5[%mul3A_424, %dma_wait3A] : memref<256x128xf32, #tpu.memory_space<hbm>> -> memref<8x128xf32, #tpu.memory_space<hbm>>
      %dma_wait3A_430 = arith.constant 0 : i32
      %dma_wait3A_431 = tpu.memref_slice %arg5[%mul3A_424, %dma_wait3A_430] : memref<256x128xf32, #tpu.memory_space<hbm>> -> memref<8x128xf32, #tpu.memory_space<hbm>>
      tpu.wait_dma2 semaphore(%run_scoped3A : memref<!tpu.dma_semaphore, #tpu.memory_space<semaphore_mem>>) src(%arg11 : memref<8x128xf32, #tpu.memory_space<vmem>>) dst(%dma_wait3A_431 : memref<8x128xf32, #tpu.memory_space<hbm>>)
      tpu.yield
    }) : () -> ()
    return
  }
}

module attributes {stable_mosaic.version = 14 : i64} {
  func.func @_tc_a_body(%arg0: i32, %arg1: memref<1x1xf32, #tpu.memory_space<smem>>, %arg2: memref<385x8x128xf32, #tpu.memory_space<vmem>>, %arg3: memref<385x8x128xf32, #tpu.memory_space<vmem>>, %arg4: memref<8x128xf32, #tpu.memory_space<vmem>>) attributes {dimension_semantics = [#tpu.dimension_semantics<arbitrary>], iteration_bounds = array<i64: 20>, scalar_prefetch = 0 : i64, scratch_operands = 0 : i64, tpu.core_type = #tpu.core_type<tc>, window_params = [{transform_indices = @transform_0, window_bounds = array<i64: 1, 1>}, {transform_indices = @transform_1, window_bounds = array<i64: 385, 8, 128>}, {transform_indices = @transform_2, window_bounds = array<i64: 385, 8, 128>}, {pipeline_mode = #tpu.pipeline_mode<synchronous>, transform_indices = @transform_3, window_bounds = array<i64: 8, 128>}]} {
    %eq3A = arith.constant 0 : i32
    %eq3A_0 = arith.cmpi eq, %arg0, %eq3A : i32
    %convert_element_type3A = arith.extui %eq3A_0 : i1 to i32
    %cond3A = arith.constant 0 : i32
    %cond3A_1 = arith.cmpi ne, %convert_element_type3A, %cond3A : i32
    scf.if %cond3A_1 {
      %broadcast_in_dim3A = arith.constant 0.000000e+00 : f32
      %broadcast_in_dim3A_20 = vector.broadcast %broadcast_in_dim3A : f32 to vector<8x128xf32>
      %swap3A_21 = arith.constant 0 : index
      %swap3A_22 = arith.constant 0 : index
      %swap3A_23 = vector.load %arg4[%swap3A_21, %swap3A_22] : memref<8x128xf32, #tpu.memory_space<vmem>>, vector<8x128xf32>
      tpu.vector_store %arg4[%swap3A_21, %swap3A_22], %broadcast_in_dim3A_20 {strides = array<i32>} : memref<8x128xf32, #tpu.memory_space<vmem>>, vector<8x128xf32>,
    } else {
    }
    %get3A = arith.constant 0 : index
    %get3A_2 = arith.constant 0 : index
    %get3A_3 = arith.constant 0 : index
    %get3A_4 = vector.load %arg2[%get3A, %get3A_2, %get3A_3] : memref<385x8x128xf32, #tpu.memory_space<vmem>>, vector<385x8x128xf32>
    %get3A_5 = arith.constant 0 : index
    %get3A_6 = arith.constant 0 : index
    %get3A_7 = memref.load %arg1[%get3A_5, %get3A_6] : memref<1x1xf32, #tpu.memory_space<smem>>
    %mul3A = vector.broadcast %get3A_7 : f32 to vector<385x8x128xf32>
    %mul3A_8 = arith.mulf %get3A_4, %mul3A : vector<385x8x128xf32>
    %get3A_9 = arith.constant 0 : index
    %get3A_10 = arith.constant 0 : index
    %get3A_11 = arith.constant 0 : index
    %get3A_12 = vector.load %arg3[%get3A_9, %get3A_10, %get3A_11] : memref<385x8x128xf32, #tpu.memory_space<vmem>>, vector<385x8x128xf32>
    %add3A = arith.addf %mul3A_8, %get3A_12 : vector<385x8x128xf32>
    %get3A_13 = arith.constant 0 : index
    %get3A_14 = arith.constant 0 : index
    %get3A_15 = vector.load %arg4[%get3A_13, %get3A_14] : memref<8x128xf32, #tpu.memory_space<vmem>>, vector<8x128xf32>
    %exp3A = math.exp %add3A : vector<385x8x128xf32>
    %reduce_sum3A = arith.constant dense<0.000000e+00> : vector<8x128xf32>
    %reduce_sum3A_16 = vector.multi_reduction <add>, %exp3A, %reduce_sum3A [0] : vector<385x8x128xf32> to vector<8x128xf32>
    %add3A_17 = arith.addf %get3A_15, %reduce_sum3A_16 : vector<8x128xf32>
    %swap3A = arith.constant 0 : index
    %swap3A_18 = arith.constant 0 : index
    %swap3A_19 = vector.load %arg4[%swap3A, %swap3A_18] : memref<8x128xf32, #tpu.memory_space<vmem>>, vector<8x128xf32>
    tpu.vector_store %arg4[%swap3A, %swap3A_18], %add3A_17 {strides = array<i32>} : memref<8x128xf32, #tpu.memory_space<vmem>>, vector<8x128xf32>,
    return
  }
  func.func @transform_0(%arg0: i32) -> (i32, i32) {
    %c0_i32 = arith.constant 0 : i32
    %c0_i32_0 = arith.constant 0 : i32
    %c0_i32_1 = arith.constant 0 : i32
    return %c0_i32, %c0_i32_0 : i32, i32
  }
  func.func @transform_1(%arg0: i32) -> (i32, i32, i32) {
    %c0_i32 = arith.constant 0 : i32
    %c0_i32_0 = arith.constant 0 : i32
    %c0_i32_1 = arith.constant 0 : i32
    return %arg0, %c0_i32, %c0_i32_0 : i32, i32, i32
  }
  func.func @transform_2(%arg0: i32) -> (i32, i32, i32) {
    %c0_i32 = arith.constant 0 : i32
    %c0_i32_0 = arith.constant 0 : i32
    %c0_i32_1 = arith.constant 0 : i32
    return %arg0, %c0_i32, %c0_i32_0 : i32, i32, i32
  }
  func.func @transform_3(%arg0: i32) -> (i32, i32) {
    %c0_i32 = arith.constant 0 : i32
    %c0_i32_0 = arith.constant 0 : i32
    %c0_i32_1 = arith.constant 0 : i32
    return %c0_i32, %c0_i32_0 : i32, i32
  }
}

module attributes {stable_mosaic.version = 14 : i64} {
  func.func @_tc_b_body(%arg0: i32, %arg1: memref<256x128xf32, #tpu.memory_space<vmem>>, %arg2: memref<8x128xf32, #tpu.memory_space<vmem>>, %arg3: memref<1x1xf32, #tpu.memory_space<smem>>, %arg4: memref<625x8x128xf32, #tpu.memory_space<vmem>>, %arg5: memref<625x8x128xf32, #tpu.memory_space<vmem>>, %arg6: memref<625x8x128xf32, #tpu.memory_space<vmem>>) attributes {dimension_semantics = [#tpu.dimension_semantics<arbitrary>], iteration_bounds = array<i64: 20>, scalar_prefetch = 0 : i64, scratch_operands = 0 : i64, tpu.core_type = #tpu.core_type<tc>, window_params = [{pipeline_mode = #tpu.pipeline_mode<synchronous>, transform_indices = @transform_0, window_bounds = array<i64: 256, 128>}, {pipeline_mode = #tpu.pipeline_mode<synchronous>, transform_indices = @transform_1, window_bounds = array<i64: 8, 128>}, {transform_indices = @transform_2, window_bounds = array<i64: 1, 1>}, {transform_indices = @transform_3, window_bounds = array<i64: 625, 8, 128>}, {transform_indices = @transform_4, window_bounds = array<i64: 625, 8, 128>}, {transform_indices = @transform_5, window_bounds = array<i64: 625, 8, 128>}]} {
    %get3A = arith.constant 0 : index
    %get3A_0 = arith.constant 0 : index
    %get3A_1 = vector.load %arg1[%get3A, %get3A_0] : memref<256x128xf32, #tpu.memory_space<vmem>>, vector<256x128xf32>
    %reduce_sum3A = arith.constant dense<0.000000e+00> : vector<128xf32>
    %reduce_sum3A_2 = vector.multi_reduction <add>, %get3A_1, %reduce_sum3A [0] : vector<256x128xf32> to vector<128xf32>
    %mul3A = arith.constant 1.250000e-01 : f32
    %mul3A_3 = vector.broadcast %mul3A : f32 to vector<128xf32>
    %mul3A_4 = arith.mulf %reduce_sum3A_2, %mul3A_3 : vector<128xf32>
    %get3A_5 = arith.constant 0 : index
    %get3A_6 = arith.constant 0 : index
    %get3A_7 = vector.load %arg2[%get3A_5, %get3A_6] : memref<8x128xf32, #tpu.memory_space<vmem>>, vector<8x128xf32>
    %reduce_sum3A_8 = arith.constant dense<0.000000e+00> : vector<128xf32>
    %reduce_sum3A_9 = vector.multi_reduction <add>, %get3A_7, %reduce_sum3A_8 [0] : vector<8x128xf32> to vector<128xf32>
    %add3A = arith.addf %mul3A_4, %reduce_sum3A_9 : vector<128xf32>
    %div3A = arith.constant 1.000000e+00 : f32
    %div3A_10 = vector.broadcast %div3A : f32 to vector<128xf32>
    %div3A_11 = arith.divf %div3A_10, %add3A : vector<128xf32>
    %broadcast_in_dim3A = vector.shape_cast %div3A_11 : vector<128xf32> to vector<1x1x128xf32>
    %get3A_12 = arith.constant 0 : index
    %get3A_13 = arith.constant 0 : index
    %get3A_14 = arith.constant 0 : index
    %get3A_15 = vector.load %arg4[%get3A_12, %get3A_13, %get3A_14] : memref<625x8x128xf32, #tpu.memory_space<vmem>>, vector<625x8x128xf32>
    %get3A_16 = arith.constant 0 : index
    %get3A_17 = arith.constant 0 : index
    %get3A_18 = memref.load %arg3[%get3A_16, %get3A_17] : memref<1x1xf32, #tpu.memory_space<smem>>
    %mul3A_19 = vector.broadcast %get3A_18 : f32 to vector<625x8x128xf32>
    %mul3A_20 = arith.mulf %get3A_15, %mul3A_19 : vector<625x8x128xf32>
    %get3A_21 = arith.constant 0 : index
    %get3A_22 = arith.constant 0 : index
    %get3A_23 = arith.constant 0 : index
    %get3A_24 = vector.load %arg5[%get3A_21, %get3A_22, %get3A_23] : memref<625x8x128xf32, #tpu.memory_space<vmem>>, vector<625x8x128xf32>
    %add3A_25 = arith.addf %mul3A_20, %get3A_24 : vector<625x8x128xf32>
    %exp3A = math.exp %add3A_25 : vector<625x8x128xf32>
    %mul3A_26 = vector.broadcast %broadcast_in_dim3A : vector<1x1x128xf32> to vector<625x8x128xf32>
    %mul3A_27 = arith.mulf %exp3A, %mul3A_26 : vector<625x8x128xf32>
    %swap3A = arith.constant 0 : index
    %swap3A_28 = arith.constant 0 : index
    %swap3A_29 = arith.constant 0 : index
    %swap3A_30 = vector.load %arg6[%swap3A, %swap3A_28, %swap3A_29] : memref<625x8x128xf32, #tpu.memory_space<vmem>>, vector<625x8x128xf32>
    tpu.vector_store %arg6[%swap3A, %swap3A_28, %swap3A_29], %mul3A_27 {strides = array<i32>} : memref<625x8x128xf32, #tpu.memory_space<vmem>>, vector<625x8x128xf32>,
    return
  }
  func.func @transform_0(%arg0: i32) -> (i32, i32) {
    %c0_i32 = arith.constant 0 : i32
    %c0_i32_0 = arith.constant 0 : i32
    %c0_i32_1 = arith.constant 0 : i32
    return %c0_i32, %c0_i32_0 : i32, i32
  }
  func.func @transform_1(%arg0: i32) -> (i32, i32) {
    %c0_i32 = arith.constant 0 : i32
    %c0_i32_0 = arith.constant 0 : i32
    %c0_i32_1 = arith.constant 0 : i32
    return %c0_i32, %c0_i32_0 : i32, i32
  }
  func.func @transform_2(%arg0: i32) -> (i32, i32) {
    %c0_i32 = arith.constant 0 : i32
    %c0_i32_0 = arith.constant 0 : i32
    %c0_i32_1 = arith.constant 0 : i32
    return %c0_i32, %c0_i32_0 : i32, i32
  }
  func.func @transform_3(%arg0: i32) -> (i32, i32, i32) {
    %c0_i32 = arith.constant 0 : i32
    %c0_i32_0 = arith.constant 0 : i32
    %c0_i32_1 = arith.constant 0 : i32
    return %arg0, %c0_i32, %c0_i32_0 : i32, i32, i32
  }
  func.func @transform_4(%arg0: i32) -> (i32, i32, i32) {
    %c0_i32 = arith.constant 0 : i32
    %c0_i32_0 = arith.constant 0 : i32
    %c0_i32_1 = arith.constant 0 : i32
    return %arg0, %c0_i32, %c0_i32_0 : i32, i32, i32
  }
  func.func @transform_5(%arg0: i32) -> (i32, i32, i32) {
    %c0_i32 = arith.constant 0 : i32
    %c0_i32_0 = arith.constant 0 : i32
    %c0_i32_1 = arith.constant 0 : i32
    return %arg0, %c0_i32, %c0_i32_0 : i32, i32, i32
  }
}

</mosaic_0001>

<sc_bundles>
// kernel: kernel.5.cloned.1.call-start
scs
__scs_entry_jumppad:
0x0: {  	(pc) =	sbr.rel $0x88, $3  }
0x1: {  	(tag) =	ssettag $0x0;
	lr =	simm.s32 $0x1  }
0x2: {  	[smem:$0x3F9E] =	sst lr;
	_ =	strace $0xD0000000  }
0x3: {  	_ = 	snop  }
0x4: {  	_ = 	snop  }
0x5: {  	_ = 	snop  }
0x6: {  	_ = 	snop  }
0x7: {  	_ = 	snop  }
__scs_overlays_trampoline_lowered:
0x8: {  	[smem:$0x3FAD] =	sst s0  }
0x9: {  	[smem:$0x3FAE] =	sst s1  }
0xa: {  	[smem:$0x3FAF] =	sst s2  }
0xb: {  	[smem:$0x3FB0] =	sst s3  }
0xc: {  	[smem:$0x3FB1] =	sst s4  }
0xd: {  	[smem:$0x3FB2] =	sst s5  }
0xe: {  	[smem:$0x3FB3] =	sst s6  }
0xf: {  	[smem:$0x3FB4] =	sst s7  }
0x10: {  	[smem:$0x3FB5] =	sst s8  }
0x11: {  	[smem:$0x3FB6] =	sst s9;
	s0 =	simm.s32 @!p0 $0x0  }
0x12: {  	s1 =	sld [smem:$0x3F9C];
	s0 =	simm.s32 @p0 $0x1  }
0x13: {  	[smem:$0x3FB7] =	sst s0;
	s0 =	simm.s32 @!p1 $0x0  }
0x14: {  	s2 =	sld [smem:$0x3F9B];
	s0 =	simm.s32 @p1 $0x1  }
0x15: {  	[smem:$0x3FB8] =	sst s0;
	s0 =	simm.s32 @!p2 $0x0  }
0x16: {  	s3 =	sld [smem:$0x3FDB];
	s0 =	simm.s32 @p2 $0x1  }
0x17: {  	s4 =	simm.s32 $0x1BF5;
	[smem:$0x3FBA] =	sst s0  }
0x18: {  	s0 =	sld [smem:$0x3F9D];
	_ =	swait.ge [sflag:s4], $0x0  }
0x19: {  	s7 =	sld [smem:$0x3F9E]  }
0x1a: {  	s8 =	sadd.s32 $0xFFFFE003, lr  }
0x1b: {  	s9 =	sadd.s32 $0xFFFFFEF7, lr;
	s5 =	simm.s32 $0xFFFFFFFF;
	p2 =	slt.u32 s8, $0xFFFFF086  }
0x1c: {  	p1 =	slt.u32 s9, $0xF7A;
	s5 =	simm.s32 @!p2 $0x0  }
0x1d: {  	s5 =	simm.s32 @p1 $0x1;
	p0 =	seq.s32 s7, s2  }
0x1e: {  	s7 =	smul.u32 @!p0 $0xF7A, s2;
	p2 =	seq.s32 @!p0 s5, $0x0  }
0x1f: {  	s9 =	smul.u32 $0xF7A, s1;
	s8 =	simm.s32 @!p0 $0x1BF5;
	p2 =	por !p2, p0  }
0x20: {  	[sflag:s8] =	ssyncset.s32 @!p0 $0xFFFFF086;
	s6 =	sadd.s32 @!p0 s3, s7;
	s7 =	simm.s32 @!p0 $0x108  }
0x21: {  	s3 =	sadd.s32 s3, s9;
	s6 =	sadd.s32 @!p0 $0x88, s6;
	s7 =	simm.s32 @p2 $0x1082  }
0x22: {  	[simem:s7], [sflag:s8] =	dma.local @!p0 [hbm:s6], $0xF7A  }
0x23: {  	s9 =	sor.u32 $0xD0000000, s2;
	s6 =	simm.s32 $0x108;
	_ =	swait.ge @!p0 [sflag:s8], $0x0  }
0x24: {  	s3 =	sadd.s32 $0x88, s3;
	s6 =	simm.s32 @!p1 $0x1082;
	[sflag:s4] =	ssyncset.s32 $0xFFFFF086  }
0x25: {  	[simem:s6], [sflag:s4] =	dma.local [hbm:s3], $0xF7A  }
0x26: {  	[smem:$0x3F9E] =	sst s1;
	(tag) =	ssettag s2;
	_ =	strace s9  }
0x27: {  	s1 =	sld [smem:$0x3FAE]  }
0x28: {  	s2 =	sld [smem:$0x3FAF]  }
0x29: {  	s4 =	sld [smem:$0x3FB1]  }
0x2a: {  	p0 =	seq.s32 s5, $0x0;
	s5 =	sld [smem:$0x3FB2]  }
0x2b: {  	s6 =	sld [smem:$0x3FB3]  }
0x2c: {  	s7 =	sld [smem:$0x3FB4]  }
0x2d: {  	s3 =	simm.s32 $0x108;
	s8 =	sld [smem:$0x3FB5]  }
0x2e: {  	s3 =	simm.s32 @!p0 $0x1082;
	s9 =	sld [smem:$0x3FB6]  }
0x2f: {  	lr =	sadd.s32 s0, s3;
	s0 =	sld [smem:$0x3FAD]  }
0x30: {  	s3 =	sld [smem:$0x3FB0]  }
0x31: {  	[smem:$0x3FB9] =	sst s10  }
0x32: {  	s10 =	sld [smem:$0x3FB7];
	_ =	sdelay $0x3  }
0x33: {  	p0 =	seq.s32 s10, $0x1;
	s10 =	sld [smem:$0x3FB9];
	_ =	sdelay $0x3  }
0x34: {  	[smem:$0x3FB9] =	sst s10  }
0x35: {  	s10 =	sld [smem:$0x3FB8];
	_ =	sdelay $0x3  }
0x36: {  	p1 =	seq.s32 s10, $0x1;
	s10 =	sld [smem:$0x3FB9];
	_ =	sdelay $0x3  }
0x37: {  	[smem:$0x3FB9] =	sst s10  }
0x38: {  	s10 =	sld [smem:$0x3FBA]  }
0x39: {  	_ = 	snop;
	(pc) =	sbr.ind lr, $3  }
0x3a: {  	_ = 	snop  }
0x3b: {  	_ = 	snop  }
0x3c: {  	p2 =	seq.s32 s10, $0x1;
	s10 =	sld [smem:$0x3FB9]  }
0x3d: {  	_ =	shalt  }
0x3e: {  	_ =	shalt  }
0x3f: {  	_ =	shalt  }
0x40: {  	_ =	shalt  }
0x41: {  	_ =	shalt  }
0x42: {  	_ =	shalt  }
0x43: {  	_ =	shalt  }
0x44: {  	_ =	shalt  }
0x45: {  	_ =	shalt  }
0x46: {  	_ =	shalt  }
0x47: {  	_ =	shalt  }
0x48: {  	_ =	shalt  }
0x49: {  	_ =	shalt  }
0x4a: {  	_ =	shalt  }
0x4b: {  	_ =	shalt  }
0x4c: {  	_ =	shalt  }
0x4d: {  	_ =	shalt  }
0x4e: {  	_ =	shalt  }
0x4f: {  	_ =	shalt  }
0x50: {  	_ =	shalt  }
0x51: {  	_ =	shalt  }
0x52: {  	_ =	shalt  }
0x53: {  	_ =	shalt  }
0x54: {  	_ =	shalt  }
0x55: {  	_ =	shalt  }
0x56: {  	_ =	shalt  }
0x57: {  	_ =	shalt  }
0x58: {  	_ =	shalt  }
0x59: {  	_ =	shalt  }
0x5a: {  	_ =	shalt  }
0x5b: {  	_ =	shalt  }
0x5c: {  	_ =	shalt  }
0x5d: {  	_ =	shalt  }
0x5e: {  	_ =	shalt  }
0x5f: {  	_ =	shalt  }
0x60: {  	_ =	shalt  }
0x61: {  	_ =	shalt  }
0x62: {  	_ =	shalt  }
0x63: {  	_ =	shalt  }
0x64: {  	_ =	shalt  }
0x65: {  	_ =	shalt  }
0x66: {  	_ =	shalt  }
0x67: {  	_ =	shalt  }
0x68: {  	_ =	shalt  }
0x69: {  	_ =	shalt  }
0x6a: {  	_ =	shalt  }
0x6b: {  	_ =	shalt  }
0x6c: {  	_ =	shalt  }
0x6d: {  	_ =	shalt  }
0x6e: {  	_ =	shalt  }
0x6f: {  	_ =	shalt  }
0x70: {  	_ =	shalt  }
0x71: {  	_ =	shalt  }
0x72: {  	_ =	shalt  }
0x73: {  	_ =	shalt  }
0x74: {  	_ =	shalt  }
0x75: {  	_ =	shalt  }
0x76: {  	_ =	shalt  }
0x77: {  	_ =	shalt  }
0x78: {  	_ =	shalt  }
0x79: {  	_ =	shalt  }
0x7a: {  	_ =	shalt  }
0x7b: {  	_ =	shalt  }
0x7c: {  	_ =	shalt  }
0x7d: {  	_ =	shalt  }
0x7e: {  	_ =	shalt  }
0x7f: {  	_ =	shalt  }
0x80: {  	_ =	shalt  }
0x81: {  	_ =	shalt  }
0x82: {  	_ =	shalt  }
0x83: {  	_ =	shalt  }
0x84: {  	_ =	shalt  }
0x85: {  	_ =	shalt  }
0x86: {  	_ =	shalt  }
0x87: {  	_ =	shalt  }
.Lfunc_end0:
.L_simem_size_0:
called_computation_lowered:
.L_overlay_start_0:
0x88: {  	s2 =	sld [smem:$0x3FD9]  }
0x89: {  	s3 =	sld [smem:$0x3FFE];
	_ =	sdelay $0x1  }
0x8a: {  	s1 =	srdreg.scid  }
0x8b: {  	s0 =	sand.u32 $0x1, s1  }
0x8c: {  	s17 =	sshll.u32 s0, $0xA;
	s2 =	sadd.s32 s3, s2  }
0x8d: {  	s2 =	sadd.s32 s2, s17  }
0x8e: {  	[smem:$0x3FC5] =	sst s2  }
0x8f: {  	_ = 	snop  }
0x90: {  	s2 =	sld [smem:$0x3FC9]  }
0x91: {  	s18 =	sld [smem:$0x3FC7]  }
0x92: {  	s4 =	sld [smem:$0x3FD0];
	(tm) =	ssettm $0x1  }
0x93: {  	s5 =	sld [smem:$0x3FFB];
	_ =	sdelay $0x3  }
0x94: {  	_ =	strace s5  }
0x95: {  	s5 =	sld [smem:$0x3FFC];
	_ =	sdelay $0x3  }
0x96: {  	_ =	strace s5  }
0x97: {  	s5 =	sld [smem:$0x3FFD];
	_ =	sdelay $0x3  }
0x98: {  	_ =	strace s5  }
0x99: {  	_ =	strace $0x8FFFFFFF  }
0x9a: {  	s19 =	sld [smem:$0x3FDB];
	_ =	sdelay $0x1  }
0x9b: {  	s6 =	simm.s32 $_scs_section_size  }
0x9c: {  	s7 =	simm.s32 $_size__tile_overlayer_lowered;
	s8 =	simm.s32 $_tile_overlayer_lowered  }
0x9d: {  	s22 =	simm.s32 $0x1BFF;
	s21 =	sshll.u32 s8, $0x1;
	s5 =	sadd.s32 s6, s19  }
0x9e: {  	s9 =	simm.s32 $0x0;
	s20 =	sshll.u32 s7, $0x1;
	s7 =	sadd.s32 s21, s5  }
0x9f: {  	[timem:s9], [sflag:s22] =	dma.local [hbm:s7], s20  }
0xa0: {  	_ =	swait.ge [sflag:s22], s20  }
0xa1: {  	s6 =	ssub.s32 $0x0, s20;
	[sflag:s22] =	ssyncset.done $0x0  }
0xa2: {  	[sflag:s22] =	ssyncadd.s32 s6;
	_ =	sdelay $0x1  }
0xa3: {  	s23 =	simm.s32 $0x1B8B  }
0xa4: {  	_ =	swait.ge [sflag:s23], $0x1  }
0xa5: {  	[sflag:s23] =	ssyncset.done $0x0  }
0xa6: {  	s25 =	simm.s32 $0x1B8E;
	s24 =	sld [smem:$0x3FFE];
	[sflag:s23] =	ssyncadd.s32 $0xFFFFFFFF  }
0xa7: {  	s26 =	simm.s32 $execute0_lowered;
	[smem:$0x3FD2] =	sst s25  }
0xa8: {  	s7 =	sshll.u32 s26, $0x1;
	_ =	strace $0x80000046;
	[dreg:$0x1] =	wrdreg $0xFFFFFFFF  }
0xa9: {  	s28 =	simm.s32 $_size_execute0_lowered;
	s5 =	sadd.s32 s5, s7;
	[dreg:$0x0] =	wrdreg $0x0  }
0xaa: {  	s7 =	sshll.u32 s28, $0x1;
	[dreg:$0x2] =	wrdreg s5  }
0xab: {  	[dreg:$0x3] =	wrdreg s7  }
0xac: {  	[dreg:$0x4] =	wrdreg $0xC0  }
0xad: {  	_ =	task [dreg:s9], $0x5FFFF  }
0xae: {  	[dreg:$0x1] =	wrdreg $0xFFFFFFFF  }
0xaf: {  	[dreg:$0x0] =	wrdreg $0x60  }
0xb0: {  	[dreg:$0x2] =	wrdreg s2  }
0xb1: {  	[dreg:$0x3] =	wrdreg s24  }
0xb2: {  	[dreg:$0x4] =	wrdreg s18  }
0xb3: {  	[dreg:$0x5] =	wrdreg s4  }
0xb4: {  	[dreg:$0x6] =	wrdreg $0x9  }
0xb5: {  	_ =	task.clear_ibuf [dreg:s9], $0x7FFFF;
	_ =	strace $0x90000046  }
0xb6: {  	s29 =	simm.s32 $0x9;
	_ =	strace $0x80000048  }
0xb7: {  	_ =	swait.ge [sflag:s29], $0x1  }
0xb8: {  	[sflag:s29] =	ssyncadd.s32 $0xFFFFFFFF  }
0xb9: {  	_ =	strace $0x90000048  }
0xba: {  	_ =	sfence  }
0xbb: {  	s30 =	sld [smem:$0x0];
	_ =	sdelay $0x2  }
0xbc: {  	s31 =	sshll.u32 s1, $0xD;
	s1 =	sshrl.u32 s1, $0x2  }
0xbd: {  	s3 =	sand.u32 $0x4000, s31;
	s1 =	sadd.s32 s1, s30  }
0xbe: {  	s0 =	sor.u32 s3, s0;
	s1 =	sshll.u32 s1, $0x11  }
0xbf: {  	s0 =	sor.u32 s1, s0  }
0xc0: {  	s0 =	sadd.s32 $0x8F2B, s0  }
0xc1: {  	[sflag:s0] =	ssyncadd.remote.s32 $0x1  }
0xc2: {  	_ =	sfence.sel $0xFFFF  }
0xc3: {  	[dreg:$0x0] =	wrdreg $0xFFFFFFFF;
	(pc) =	sbr.abs _section_cstart, $3  }
0xc4: {  	[dreg:$0x1] =	wrdreg $0xFFFFFFFF  }
0xc5: {  	_ =	task.clear_ibuf [dreg:s9], $0x2FFFF;
	_ =	strace $0x9FFFFFFF  }
0xc6: {  	(tm) =	ssettm $0x7FFFFFFF  }
0xc7: {  	_ =	shalt  }
tec
execute0_lowered:
.L_overlay_start_1:
0x0: {  	(tag) =	ssettag $0x1  }
0x1: {  	s1 =	rddreg [dreg:$0x0]  }
0x2: {  	s5 =	rddreg [dreg:$0x1]  }
0x3: {  	s3 =	rddreg [dreg:$0x2]  }
0x4: {  	s2 =	srdreg.scid;
	s0 =	stileid.u32  }
0x5: {  	s10 =	rddreg [dreg:$0x3];
	s4 =	simm.s32 $0x0;
	s13 =	simm.s32 $0x5  }
0x6: {  	s14 =	simm.s32 $0x7800;
	s15 =	simm.s32 $0x3C00;
	s16 =	simm.s32 $0xB400  }
0x7: {  	s17 =	simm.s32 $0x1;
	s18 =	simm.s32 $0x3;
	s19 =	simm.s32 $0x2  }
0x8: {  	s20 =	simm.s32 $0x4;
	s21 =	simm.s32 $0xF080;
	s22 =	simm.s32 $0x0  }
0x9: {  	s6 =	sand.u32 $0x1, s2;
	s7 =	sshll.u32 s0, $0x1;
	s2 =	rddreg [dreg:$0x4]  }
0xa: {  	[smem:$0x7FF] =	sst s4;
	s5 =	sadd.s32 $0x800, s5;
	s8 =	sor.u32 s6, s7  }
0xb: {  	s6 =	ssub.s32 $0x2, s6;
	_ =	strace $0x80000047;
	s7 =	smul.u32 $0x4B00, s8  }
0xc: {  	s9 =	sshrl.u32 s6, $0x1;
	s31 =	smul.u32 $0x96, s8;
	s12 =	sshll.u32 s8, $0x7  }
0xd: {  	s11 =	ssub.s32 s6, s9;
	s10 =	sadd.s32 s10, s12;
	s12 =	simm.s32 $0xF000  }
0xe: {  	s7 =	sadd.s32 $0xF0A00, s7;
	s8 =	sadd.s32 $0x1E23, s31;
	s9 =	sadd.s32 $0x1E32, s31  }
0xf: {  	s11 =	smax.u32 s11, $0x1;
	s6 =	sadd.s32 s1, s7;
	s7 =	sadd.s32 s3, s7  }
.LBB2_1:
0x10: {  	[tilespmem:s12], [sflag:$0x5] =	stream.linear.gather [hbm4b:s5+s4], $0x80, $0x38;
	[tilespmem:$0xF480] =	vst v63  }
0x11: {  	_ =	swait.ge [sflag:s13], $0x80  }
0x12: {  	[sflag:s13] =	ssyncset.done $0x0  }
0x13: {  	[sflag:s13] =	ssyncadd.s32 $0xFFFFFF80  }
0x14: {  	v5 =	vimm.f32 $0.0e+00;
	v1 =	vimm.f32 $0.0e+00;
	v0 =	vld [tilespmem:$0xF000];
	[tilespmem:s4], [sflag:$0x1] =	stream.linear.gather [hbm4b:s6+s4], $0x3C00, $0x38  }
0x15: {  	v2 =	vimm.f32 $0.0e+00;
	v3 =	vimm.f32 $0.0e+00;
	v4 =	vimm.f32 $0.0e+00;
	s23 =	simm.s32 $0x0  }
0x16: {  	v8 =	vimm.f32 $0.0e+00;
	v7 =	vimm.f32 $0.0e+00;
	v6 =	vimm.f32 $0.0e+00;
	[tilespmem:s14], [sflag:$0x3] =	stream.linear.gather [hbm4b:s7+s4], $0x3C00, $0x38;
	[tilespmem:$0xF480] =	vst v63  }
.LBB2_2:
0x17: {  	s24 =	smul.u32 $0x1E, s23;
	_ =	sdelay $0x1  }
0x18: {  	s25 =	sadd.s32 s24, s8  }
0x19: {  	s25 =	sshll.u32 s25, $0x7  }
0x1a: {  	s25 =	sand.u32 $0x1FFFFF80, s25  }
0x1b: {  	s28 =	simm.s32 $0x0;
	s26 =	sadd.s32 s1, s25  }
0x1c: {  	[tilespmem:s15], [sflag:$0x2] =	stream.linear.gather [hbm4b:s26+s28], $0x3C00, $0x38;
	[tilespmem:$0xF480] =	vst v63  }
0x1d: {  	s25 =	sadd.s32 s3, s25  }
0x1e: {  	[tilespmem:s16], [sflag:$0x4] =	stream.linear.gather [hbm4b:s25+s28], $0x3C00, $0x38;
	[tilespmem:$0xF480] =	vst v63  }
0x1f: {  	_ =	swait.ge [sflag:s17], $0x3C00  }
0x20: {  	[sflag:s17] =	ssyncset.done $0x0  }
0x21: {  	[sflag:s17] =	ssyncadd.s32 $0xFFFFC400  }
0x22: {  	_ =	swait.ge [sflag:s18], $0x3C00  }
0x23: {  	[sflag:s18] =	ssyncset.done $0x0  }
0x24: {  	s30 =	simm.s32 $0x0;
	[sflag:s18] =	ssyncadd.s32 $0xFFFFC400  }
0x25: {  	v9 =	vld [tilespmem:s30+$0x70]  }
0x26: {  	v10 =	vld [tilespmem:s30+$0x0]  }
0x27: {  	v11 =	vld [tilespmem:s30+$0x7870]  }
0x28: {  	v12 =	vld [tilespmem:s30+$0x10]  }
0x29: {  	v13 =	vld [tilespmem:s30+$0x20]  }
0x2a: {  	v14 =	vld [tilespmem:s30+$0x30]  }
0x2b: {  	v15 =	vld [tilespmem:s30+$0x40]  }
0x2c: {  	v16 =	vld [tilespmem:s30+$0x50]  }
0x2d: {  	v17 =	vld [tilespmem:s30+$0x60]  }
0x2e: {  	v18 =	vld [tilespmem:s30+$0x7800]  }
0x2f: {  	v19 =	vld [tilespmem:s30+$0x7810];
	v9 =	vmul.f32 v9, v0  }
0x30: {  	v20 =	vld [tilespmem:s30+$0x7820]  }
0x31: {  	v21 =	vld [tilespmem:s30+$0x7830];
	v10 =	vmul.f32 v10, v0;
	v9 =	vadd.f32 v11, v9  }
0x32: {  	v22 =	vld [tilespmem:s30+$0x7850];
	v12 =	vmul.f32 v12, v0  }
0x33: {  	v13 =	vmul.f32 v13, v0;
	v11 =	vld [tilespmem:s30+$0x7840];
	v10 =	vadd.f32 v18, v10;
	v9 =	vmul.f32 $1.442695020e+00, v9  }
0x34: {  	s31 =	simm.s32 $0x80;
	v14 =	vmul.f32 v14, v0;
	v15 =	vmul.f32 v15, v0;
	v18 =	vld [tilespmem:s30+$0x7860];
	v12 =	vadd.f32 v19, v12  }
0x35: {  	v19 =	vld [tilespmem:s31+$0x70];
	(erf) = vpow2.f32 v9;
	v9 =	vmul.f32 $1.442695020e+00, v10;
	v10 =	vadd.f32 v20, v13  }
0x36: {  	v23 =	vld [tilespmem:s31+$0x7810];
	v16 =	vmul.f32 v16, v0;
	v12 =	vmul.f32 $1.442695020e+00, v12  }
0x37: {  	v20 =	vld [tilespmem:s31+$0x7870];
	v10 =	vmul.f32 $1.442695020e+00, v10;
	(erf) = vpow2.f32 v9  }
0x38: {  	v17 =	vmul.f32 v17, v0;
	v14 =	vadd.f32 v21, v14;
	v13 =	vld [tilespmem:s31+$0x0];
	(erf) = vpow2.f32 v12  }
0x39: {  	v11 =	vadd.f32 v11, v15;
	v15 =	vadd.f32 v22, v16;
	v9 =	vld [tilespmem:s31+$0x10];
	(erf) = vpow2.f32 v10  }
0x3a: {  	v16 =	vld [tilespmem:s31+$0x30];
	v10 =	vmul.f32 $1.442695020e+00, v14;
	v14 =	vadd.f32 v18, v17;
	v17 =	vmul.f32 v19, v0  }
0x3b: {  	v12 =	vld [tilespmem:s31+$0x20];
	v11 =	vmul.f32 $1.442695020e+00, v11  }
0x3c: {  	v18 =	vld [tilespmem:s31+$0x40];
	v21 =	vmul.f32 $1.442695020e+00, v14;
	v14 =	vadd.f32 v20, v17;
	(erf) = vpow2.f32 v10  }
0x3d: {  	v15 =	vmul.f32 $1.442695020e+00, v15;
	v19 =	vld [tilespmem:s31+$0x50];
	(erf) = vpow2.f32 v11  }
0x3e: {  	v17 =	vld [tilespmem:s31+$0x7800];
	v22 =	vmul.f32 v9, v0;
	v9 =	vmul.f32 $1.442695020e+00, v14  }
0x3f: {  	v20 =	vld [tilespmem:s31+$0x60];
	(erf) = vpow2.f32 v15  }
0x40: {  	v13 =	vmul.f32 v13, v0;
	v14 =	vld [tilespmem:s31+$0x7820];
	v11 =	vpop (erf);
	(erf) = vpow2.f32 v9  }
0x41: {  	v10 =	vmul.f32 v12, v0;
	v15 =	vld [tilespmem:s31+$0x7830];
	v5 =	vadd.f32 v11, v5;
	v12 =	vpop (erf);
	(erf) = vpow2.f32 v21  }
0x42: {  	v11 =	vmul.f32 v16, v0;
	v9 =	vmul.f32 v18, v0;
	v16 =	vld [tilespmem:s31+$0x7840];
	v6 =	vadd.f32 v12, v6;
	v18 =	vpop (erf)  }
0x43: {  	v12 =	vmul.f32 v19, v0;
	v19 =	vadd.f32 v17, v13;
	v17 =	vld [tilespmem:s31+$0x7850];
	v7 =	vadd.f32 v18, v7;
	v18 =	vpop (erf)  }
0x44: {  	s26 =	simm.s32 $0x600;
	s25 =	simm.s32 $0x100;
	v13 =	vmul.f32 v20, v0;
	v20 =	vadd.f32 v23, v22;
	v8 =	vadd.f32 v18, v8;
	v18 =	vld [tilespmem:s31+$0x7860]  }
.LBB2_3:
0x45: {  	p0 =	sne.s32 s26, $0xEE00;
	v21 =	vld [tilespmem:s25+$0x70];
	v19 =	vmul.f32 $1.442695020e+00, v19;
	v10 =	vadd.f32 v14, v10;
	v14 =	vpop (erf)  }
0x46: {  	v22 =	vld [tilespmem:s25+$0x0];
	v20 =	vmul.f32 $1.442695020e+00, v20;
	v11 =	vadd.f32 v15, v11;
	v4 =	vadd.f32 v14, v4;
	v14 =	vpop (erf)  }
0x47: {  	v15 =	vld [tilespmem:s25+$0x7870];
	v23 =	vmul.f32 $1.442695020e+00, v10;
	v9 =	vadd.f32 v16, v9;
	(erf) = vpow2.f32 v19  }
0x48: {  	v16 =	vld [tilespmem:s25+$0x10];
	v11 =	vmul.f32 $1.442695020e+00, v11;
	v12 =	vadd.f32 v17, v12;
	(erf) = vpow2.f32 v20;
	v17 =	vpop (erf)  }
0x49: {  	v19 =	vld [tilespmem:s25+$0x20];
	v9 =	vmul.f32 $1.442695020e+00, v9;
	v13 =	vadd.f32 v18, v13;
	(erf) = vpow2.f32 v23;
	v10 =	vpop (erf)  }
0x4a: {  	v18 =	vld [tilespmem:s25+$0x30];
	v20 =	vmul.f32 v21, v0;
	v12 =	vmul.f32 $1.442695020e+00, v12;
	v5 =	vadd.f32 v10, v5;
	v10 =	vpop (erf)  }
0x4b: {  	v3 =	vadd.f32 v14, v3;
	v21 =	vmul.f32 v22, v0;
	v22 =	vld [tilespmem:s25+$0x40];
	v13 =	vmul.f32 $1.442695020e+00, v13  }
0x4c: {  	v2 =	vadd.f32 v17, v2;
	v23 =	vld [tilespmem:s25+$0x50];
	v14 =	vadd.f32 v15, v20;
	(erf) = vpow2.f32 v11  }
0x4d: {  	v1 =	vadd.f32 v10, v1;
	v20 =	vmul.f32 v16, v0;
	v17 =	vld [tilespmem:s25+$0x60];
	(erf) = vpow2.f32 v9  }
0x4e: {  	v24 =	vld [tilespmem:s25+$0x7800];
	v10 =	vmul.f32 v19, v0;
	v15 =	vmul.f32 $1.442695020e+00, v14  }
0x4f: {  	v25 =	vld [tilespmem:s25+$0x7810];
	v11 =	vmul.f32 v18, v0;
	(erf) = vpow2.f32 v12  }
.Ltmp0:
0x50: {  	v14 =	vld [tilespmem:s25+$0x7820];
	v9 =	vmul.f32 v22, v0;
	(erf) = vpow2.f32 v15;
	v16 =	vpop (erf);
	(pc) =	sbr.rel @p0 .LBB2_3-.Ltmp0, $4  }
0x51: {  	v15 =	vld [tilespmem:s25+$0x7830];
	v12 =	vmul.f32 v23, v0;
	v6 =	vadd.f32 v16, v6;
	v18 =	vpop (erf);
	(erf) = vpow2.f32 v13  }
0x52: {  	v16 =	vld [tilespmem:s25+$0x7840];
	v13 =	vmul.f32 v17, v0;
	v7 =	vadd.f32 v18, v7;
	v18 =	vpop (erf)  }
0x53: {  	v19 =	vadd.f32 v24, v21;
	v17 =	vld [tilespmem:s25+$0x7850];
	v8 =	vadd.f32 v18, v8  }
0x54: {  	v20 =	vadd.f32 v25, v20;
	v18 =	vld [tilespmem:s25+$0x7860];
	s25 =	sshra.s32 s26, $0x2;
	s26 =	sadd.s32 $0x200, s26  }
0x55: {  	v21 =	vld [tilespmem:s25+$0x70]  }
0x56: {  	v22 =	vld [tilespmem:s25+$0x0]  }
0x57: {  	v23 =	vld [tilespmem:s25+$0x7870]  }
0x58: {  	v24 =	vld [tilespmem:s25+$0x10]  }
0x59: {  	v10 =	vadd.f32 v14, v10;
	v14 =	vld [tilespmem:s25+$0x20]  }
0x5a: {  	v19 =	vmul.f32 $1.442695020e+00, v19;
	v11 =	vadd.f32 v15, v11;
	v15 =	vld [tilespmem:s25+$0x30]  }
0x5b: {  	v20 =	vmul.f32 $1.442695020e+00, v20;
	v10 =	vmul.f32 $1.442695020e+00, v10;
	v9 =	vadd.f32 v16, v9;
	v16 =	vld [tilespmem:s25+$0x40]  }
0x5c: {  	(erf) = vpow2.f32 v19;
	v19 =	vld [tilespmem:s25+$0x7800];
	v11 =	vmul.f32 $1.442695020e+00, v11  }
0x5d: {  	v12 =	vadd.f32 v17, v12;
	(erf) = vpow2.f32 v20;
	v17 =	vld [tilespmem:s25+$0x50];
	v9 =	vmul.f32 $1.442695020e+00, v9  }
0x5e: {  	v13 =	vadd.f32 v18, v13;
	(erf) = vpow2.f32 v10;
	v10 =	vld [tilespmem:s25+$0x60];
	v18 =	vmul.f32 v21, v0  }
0x5f: {  	v12 =	vmul.f32 $1.442695020e+00, v12;
	v20 =	vmul.f32 v22, v0;
	v21 =	vld [tilespmem:s25+$0x7810]  }
0x60: {  	(erf) = vpow2.f32 v11;
	v11 =	vmul.f32 v24, v0;
	v22 =	vld [tilespmem:s25+$0x7820];
	v18 =	vadd.f32 v23, v18  }
0x61: {  	(erf) = vpow2.f32 v9;
	v9 =	vmul.f32 v14, v0;
	v14 =	vld [tilespmem:s25+$0x7830]  }
0x62: {  	v13 =	vmul.f32 $1.442695020e+00, v13;
	v23 =	vld [tilespmem:s25+$0x7840];
	v18 =	vmul.f32 $1.442695020e+00, v18  }
0x63: {  	v60 =	vpop (erf);
	(erf) = vpow2.f32 v12;
	v12 =	vmul.f32 v16, v0;
	v16 =	vadd.f32 v19, v20;
	v19 =	vld [tilespmem:s25+$0x7850]  }
0x64: {  	v15 =	vmul.f32 v15, v0;
	v20 =	vpop (erf);
	v11 =	vadd.f32 v21, v11;
	(erf) = vpow2.f32 v18;
	v18 =	vld [tilespmem:s25+$0x7860]  }
0x65: {  	v21 =	vpop (erf);
	v9 =	vadd.f32 v22, v9;
	(erf) = vpow2.f32 v13;
	v13 =	vmul.f32 $1.442695020e+00, v16  }
0x66: {  	v17 =	vmul.f32 v17, v0;
	v14 =	vadd.f32 v14, v15;
	v11 =	vmul.f32 $1.442695020e+00, v11  }
0x67: {  	v10 =	vmul.f32 v10, v0;
	v16 =	vpop (erf);
	v9 =	vmul.f32 $1.442695020e+00, v9;
	v12 =	vadd.f32 v23, v12  }
0x68: {  	v17 =	vadd.f32 v19, v17;
	v15 =	vpop (erf);
	v14 =	vmul.f32 $1.442695020e+00, v14;
	(erf) = vpow2.f32 v13  }
0x69: {  	v12 =	vmul.f32 $1.442695020e+00, v12;
	(erf) = vpow2.f32 v11;
	v13 =	vpop (erf);
	v10 =	vadd.f32 v18, v10  }
0x6a: {  	v17 =	vmul.f32 $1.442695020e+00, v17;
	(erf) = vpow2.f32 v9;
	v11 =	vpop (erf)  }
0x6b: {  	(erf) = vpow2.f32 v14;
	v9 =	vpop (erf);
	v10 =	vmul.f32 $1.442695020e+00, v10  }
0x6c: {  	(erf) = vpow2.f32 v12;
	v14 =	vpop (erf)  }
0x6d: {  	(erf) = vpow2.f32 v17;
	v12 =	vpop (erf)  }
0x6e: {  	v17 =	vpop (erf);
	(erf) = vpow2.f32 v10  }
0x6f: {  	v10 =	vpop (erf)  }
0x70: {  	p0 =	seq.s32 s23, $0x4;
	v18 =	vpop (erf)  }
0x71: {  	s24 =	sadd.s32 @!p0 s24, s9;
	v19 =	vpop (erf)  }
0x72: {  	s24 =	sshll.u32 @!p0 s24, $0x7;
	v22 =	vpop (erf)  }
0x73: {  	s24 =	sand.u32 @!p0 $0x1FFFFF00, s24;
	v23 =	vpop (erf)  }
0x74: {  	s26 =	simm.s32 @!p0 $0x0;
	s25 =	sadd.s32 @!p0 s1, s24;
	v25 =	vpop (erf)  }
0x75: {  	[tilespmem:s26], [sflag:$0x1] =	stream.linear.gather @!p0 [hbm4b:s25+s26], $0x3C00, $0x38;
	v26 =	vpop (erf);
	[tilespmem:$0xF480] =	vst v63  }
0x76: {  	s24 =	sadd.s32 @!p0 s3, s24;
	s25 =	simm.s32 @!p0 $0x7800;
	v27 =	vpop (erf)  }
0x77: {  	[tilespmem:s25], [sflag:$0x3] =	stream.linear.gather @!p0 [hbm4b:s24+s26], $0x3C00, $0x38;
	v28 =	vpop (erf);
	[tilespmem:$0xF480] =	vst v63  }
0x78: {  	_ =	swait.ge [sflag:s19], $0x3C00  }
0x79: {  	[sflag:s19] =	ssyncset.done $0x0  }
0x7a: {  	[sflag:s19] =	ssyncadd.s32 $0xFFFFC400  }
0x7b: {  	_ =	swait.ge [sflag:s20], $0x3C00  }
0x7c: {  	[sflag:s20] =	ssyncset.done $0x0  }
0x7d: {  	s30 =	simm.s32 $0x0;
	[sflag:s20] =	ssyncadd.s32 $0xFFFFC400  }
0x7e: {  	v29 =	vld [tilespmem:s30+$0x3C70]  }
0x7f: {  	v30 =	vld [tilespmem:s30+$0x3C00]  }
0x80: {  	v31 =	vld [tilespmem:s30+$0xB470]  }
0x81: {  	v32 =	vld [tilespmem:s30+$0x3C10]  }
0x82: {  	v33 =	vld [tilespmem:s30+$0x3C20]  }
0x83: {  	v34 =	vld [tilespmem:s30+$0x3C30]  }
0x84: {  	v4 =	vadd.f32 v60, v4;
	v3 =	vadd.f32 v20, v3;
	v35 =	vld [tilespmem:s30+$0x3C40]  }
0x85: {  	v2 =	vadd.f32 v21, v2;
	v5 =	vadd.f32 v16, v5;
	v61 =	vld [tilespmem:s30+$0x3C50]  }
0x86: {  	v1 =	vadd.f32 v15, v1;
	v6 =	vadd.f32 v13, v6;
	v15 =	vld [tilespmem:s30+$0xB400]  }
0x87: {  	v7 =	vadd.f32 v11, v7;
	v8 =	vadd.f32 v9, v8;
	v13 =	vld [tilespmem:s30+$0xB410]  }
0x88: {  	v4 =	vadd.f32 v14, v4;
	v3 =	vadd.f32 v12, v3;
	v16 =	vld [tilespmem:s30+$0x3C60]  }
0x89: {  	v12 =	vadd.f32 v17, v2;
	v5 =	vadd.f32 v10, v5;
	v9 =	vld [tilespmem:s30+$0xB420];
	v11 =	vmul.f32 v29, v0  }
0x8a: {  	v17 =	vadd.f32 v18, v1;
	v14 =	vld [tilespmem:s30+$0xB440];
	v2 =	vmul.f32 v30, v0;
	v1 =	vmul.f32 v32, v0  }
0x8b: {  	v6 =	vadd.f32 v19, v6;
	v18 =	vld [tilespmem:s30+$0xB450];
	v19 =	vmul.f32 v33, v0;
	v10 =	vadd.f32 v31, v11  }
0x8c: {  	s31 =	simm.s32 $0x80;
	v20 =	vmul.f32 v35, v0;
	v11 =	vld [tilespmem:s30+$0xB430];
	v2 =	vadd.f32 v15, v2;
	v1 =	vadd.f32 v13, v1  }
0x8d: {  	v21 =	vmul.f32 v61, v0;
	v13 =	vld [tilespmem:s31+$0x3C70];
	v10 =	vmul.f32 $1.442695020e+00, v10  }
0x8e: {  	v15 =	vld [tilespmem:s30+$0xB460];
	v9 =	vadd.f32 v9, v19;
	v2 =	vmul.f32 $1.442695020e+00, v2;
	v1 =	vmul.f32 $1.442695020e+00, v1  }
0x8f: {  	v19 =	vld [tilespmem:s31+$0x3C00];
	(erf) = vpow2.f32 v10;
	v10 =	vmul.f32 v34, v0  }
0x90: {  	v7 =	vadd.f32 v22, v7;
	v22 =	vld [tilespmem:s31+$0xB470];
	v9 =	vmul.f32 $1.442695020e+00, v9;
	(erf) = vpow2.f32 v2  }
0x91: {  	v62 =	vld [tilespmem:s31+$0xB400];
	v2 =	vadd.f32 v14, v20;
	v14 =	vmul.f32 v16, v0;
	v10 =	vadd.f32 v11, v10  }
0x92: {  	v16 =	vld [tilespmem:s31+$0x3C20];
	(erf) = vpow2.f32 v1;
	v1 =	vadd.f32 v25, v4;
	v4 =	vmul.f32 v13, v0  }
0x93: {  	v63 =	vld [tilespmem:s31+$0xB410];
	(erf) = vpow2.f32 v9;
	v14 =	vadd.f32 v15, v14;
	v9 =	vmul.f32 $1.442695020e+00, v10  }
0x94: {  	v18 =	vadd.f32 v18, v21;
	v19 =	vmul.f32 v19, v0;
	v11 =	vld [tilespmem:s31+$0x3C10];
	v10 =	vmul.f32 $1.442695020e+00, v2  }
0x95: {  	v15 =	vld [tilespmem:s31+$0x3C40];
	v21 =	vmul.f32 $1.442695020e+00, v14;
	v14 =	vadd.f32 v22, v4;
	(erf) = vpow2.f32 v9  }
0x96: {  	v20 =	vld [tilespmem:s31+$0x3C30];
	v13 =	vmul.f32 $1.442695020e+00, v18;
	(erf) = vpow2.f32 v10  }
0x97: {  	v18 =	vld [tilespmem:s31+$0x3C50];
	v9 =	vmul.f32 v16, v0;
	v16 =	vmul.f32 $1.442695020e+00, v14  }
0x98: {  	v8 =	vadd.f32 v23, v8;
	v23 =	vld [tilespmem:s31+$0x3C60];
	v19 =	vadd.f32 v62, v19;
	v10 =	vpop (erf);
	(erf) = vpow2.f32 v13  }
0x99: {  	v2 =	vadd.f32 v26, v3;
	v22 =	vmul.f32 v11, v0;
	v14 =	vld [tilespmem:s31+$0xB420];
	(erf) = vpow2.f32 v16  }
0x9a: {  	v3 =	vadd.f32 v27, v12;
	v12 =	vmul.f32 v15, v0;
	v15 =	vld [tilespmem:s31+$0xB430];
	v13 =	vpop (erf);
	(erf) = vpow2.f32 v21  }
0x9b: {  	v4 =	vadd.f32 v28, v17;
	v11 =	vmul.f32 v20, v0;
	v16 =	vld [tilespmem:s31+$0xB440];
	v6 =	vadd.f32 v13, v6;
	v13 =	vpop (erf)  }
0x9c: {  	v17 =	vld [tilespmem:s31+$0xB450];
	v20 =	vadd.f32 v63, v22;
	v5 =	vadd.f32 v10, v5;
	v10 =	vmul.f32 v18, v0;
	v18 =	vpop (erf)  }
0x9d: {  	s24 =	simm.s32 $0x100;
	s25 =	simm.s32 $0x600;
	v7 =	vadd.f32 v13, v7;
	v13 =	vmul.f32 v23, v0;
	v8 =	vadd.f32 v18, v8;
	v18 =	vld [tilespmem:s31+$0xB460]  }
.LBB2_5:
0x9e: {  	p0 =	sne.s32 s25, $0xEE00;
	v21 =	vld [tilespmem:s24+$0x3C70];
	v19 =	vmul.f32 $1.442695020e+00, v19;
	v9 =	vadd.f32 v14, v9;
	v14 =	vpop (erf)  }
0x9f: {  	v22 =	vld [tilespmem:s24+$0x3C00];
	v20 =	vmul.f32 $1.442695020e+00, v20;
	v11 =	vadd.f32 v15, v11;
	v1 =	vadd.f32 v14, v1;
	v14 =	vpop (erf)  }
0xa0: {  	v15 =	vld [tilespmem:s24+$0xB470];
	v23 =	vmul.f32 $1.442695020e+00, v9;
	v12 =	vadd.f32 v16, v12;
	(erf) = vpow2.f32 v19  }
0xa1: {  	v16 =	vld [tilespmem:s24+$0x3C10];
	v11 =	vmul.f32 $1.442695020e+00, v11;
	v10 =	vadd.f32 v17, v10;
	(erf) = vpow2.f32 v20;
	v17 =	vpop (erf)  }
0xa2: {  	v19 =	vld [tilespmem:s24+$0x3C20];
	v12 =	vmul.f32 $1.442695020e+00, v12;
	v13 =	vadd.f32 v18, v13;
	(erf) = vpow2.f32 v23;
	v9 =	vpop (erf)  }
0xa3: {  	v18 =	vld [tilespmem:s24+$0x3C30];
	v20 =	vmul.f32 v21, v0;
	v10 =	vmul.f32 $1.442695020e+00, v10;
	v5 =	vadd.f32 v9, v5;
	v9 =	vpop (erf)  }
0xa4: {  	v2 =	vadd.f32 v14, v2;
	v21 =	vmul.f32 v22, v0;
	v22 =	vld [tilespmem:s24+$0x3C40];
	v13 =	vmul.f32 $1.442695020e+00, v13  }
0xa5: {  	v3 =	vadd.f32 v17, v3;
	v23 =	vld [tilespmem:s24+$0x3C50];
	v14 =	vadd.f32 v15, v20;
	(erf) = vpow2.f32 v11  }
0xa6: {  	v4 =	vadd.f32 v9, v4;
	v20 =	vmul.f32 v16, v0;
	v17 =	vld [tilespmem:s24+$0x3C60];
	(erf) = vpow2.f32 v12  }
0xa7: {  	v24 =	vld [tilespmem:s24+$0xB400];
	v9 =	vmul.f32 v19, v0;
	v15 =	vmul.f32 $1.442695020e+00, v14  }
0xa8: {  	v25 =	vld [tilespmem:s24+$0xB410];
	v11 =	vmul.f32 v18, v0;
	(erf) = vpow2.f32 v10  }
.Ltmp1:
0xa9: {  	v14 =	vld [tilespmem:s24+$0xB420];
	v12 =	vmul.f32 v22, v0;
	(erf) = vpow2.f32 v15;
	v16 =	vpop (erf);
	(pc) =	sbr.rel @p0 .LBB2_5-.Ltmp1, $4  }
0xaa: {  	v15 =	vld [tilespmem:s24+$0xB430];
	v10 =	vmul.f32 v23, v0;
	v6 =	vadd.f32 v16, v6;
	v18 =	vpop (erf);
	(erf) = vpow2.f32 v13  }
0xab: {  	v16 =	vld [tilespmem:s24+$0xB440];
	v13 =	vmul.f32 v17, v0;
	v7 =	vadd.f32 v18, v7;
	v18 =	vpop (erf)  }
0xac: {  	v19 =	vadd.f32 v24, v21;
	v17 =	vld [tilespmem:s24+$0xB450];
	v8 =	vadd.f32 v18, v8  }
0xad: {  	v20 =	vadd.f32 v25, v20;
	v18 =	vld [tilespmem:s24+$0xB460];
	s24 =	sshra.s32 s25, $0x2;
	s25 =	sadd.s32 $0x200, s25  }
0xae: {  	v21 =	vld [tilespmem:s24+$0x3C70]  }
0xaf: {  	v22 =	vld [tilespmem:s24+$0x3C00]  }
0xb0: {  	v23 =	vld [tilespmem:s24+$0xB470]  }
0xb1: {  	v24 =	vld [tilespmem:s24+$0x3C10]  }
0xb2: {  	v9 =	vadd.f32 v14, v9;
	v38 =	vld [tilespmem:s24+$0x3C20]  }
0xb3: {  	v19 =	vmul.f32 $1.442695020e+00, v19;
	v39 =	vld [tilespmem:s24+$0x3C30];
	v11 =	vadd.f32 v15, v11  }
0xb4: {  	v40 =	vld [tilespmem:s24+$0x3C40];
	v20 =	vmul.f32 $1.442695020e+00, v20;
	v12 =	vadd.f32 v16, v12;
	v9 =	vmul.f32 $1.442695020e+00, v9  }
0xb5: {  	v41 =	vld [tilespmem:s24+$0x3C50];
	(erf) = vpow2.f32 v19;
	v11 =	vmul.f32 $1.442695020e+00, v11;
	v10 =	vadd.f32 v17, v10  }
0xb6: {  	v43 =	vld [tilespmem:s24+$0x3C60];
	(erf) = vpow2.f32 v20;
	v12 =	vmul.f32 $1.442695020e+00, v12  }
0xb7: {  	(erf) = vpow2.f32 v9;
	v9 =	vmul.f32 $1.442695020e+00, v10;
	v10 =	vld [tilespmem:s24+$0xB400]  }
0xb8: {  	v45 =	vld [tilespmem:s24+$0xB410];
	v42 =	vmul.f32 v21, v0;
	v44 =	vmul.f32 v22, v0  }
0xb9: {  	v46 =	vld [tilespmem:s24+$0xB420];
	(erf) = vpow2.f32 v11;
	v11 =	vmul.f32 v24, v0  }
0xba: {  	v48 =	vld [tilespmem:s24+$0xB430];
	v13 =	vadd.f32 v18, v13;
	v14 =	vmul.f32 v38, v0;
	(erf) = vpow2.f32 v12  }
0xbb: {  	v15 =	vmul.f32 v39, v0;
	v18 =	vadd.f32 v23, v42;
	(erf) = vpow2.f32 v9;
	v9 =	vld [tilespmem:s24+$0xB440]  }
0xbc: {  	v16 =	vmul.f32 v40, v0;
	v17 =	vmul.f32 v41, v0;
	v10 =	vadd.f32 v10, v44  }
0xbd: {  	v49 =	vpop (erf);
	v50 =	vld [tilespmem:s24+$0xB450];
	v55 =	vmul.f32 v43, v0;
	v11 =	vadd.f32 v45, v11;
	v47 =	vmul.f32 $1.442695020e+00, v18  }
0xbe: {  	v52 =	vld [tilespmem:s24+$0xB460];
	v51 =	vpop (erf);
	v13 =	vmul.f32 $1.442695020e+00, v13;
	v14 =	vadd.f32 v46, v14;
	v10 =	vmul.f32 $1.442695020e+00, v10  }
0xbf: {  	v53 =	vpop (erf);
	v15 =	vadd.f32 v48, v15;
	v11 =	vmul.f32 $1.442695020e+00, v11;
	(erf) = vpow2.f32 v47  }
0xc0: {  	v54 =	vpop (erf);
	v14 =	vmul.f32 $1.442695020e+00, v14;
	(erf) = vpow2.f32 v13;
	v9 =	vadd.f32 v9, v16  }
0xc1: {  	v56 =	vpop (erf);
	v15 =	vmul.f32 $1.442695020e+00, v15;
	(erf) = vpow2.f32 v10  }
0xc2: {  	v12 =	vadd.f32 v50, v17;
	v9 =	vmul.f32 $1.442695020e+00, v9;
	(erf) = vpow2.f32 v11;
	v10 =	vpop (erf)  }
0xc3: {  	v13 =	vadd.f32 v52, v55;
	(erf) = vpow2.f32 v14;
	v11 =	vpop (erf)  }
0xc4: {  	v12 =	vmul.f32 $1.442695020e+00, v12;
	(erf) = vpow2.f32 v15;
	v57 =	vpop (erf)  }
0xc5: {  	v13 =	vmul.f32 $1.442695020e+00, v13;
	(erf) = vpow2.f32 v9;
	v58 =	vpop (erf)  }
0xc6: {  	(erf) = vpow2.f32 v12;
	v9 =	vpop (erf)  }
0xc7: {  	(erf) = vpow2.f32 v13;
	v59 =	vpop (erf)  }
0xc8: {  	v1 =	vadd.f32 v49, v1;
	v2 =	vadd.f32 v51, v2;
	v60 =	vpop (erf)  }
0xc9: {  	v3 =	vadd.f32 v53, v3;
	v5 =	vadd.f32 v54, v5;
	v61 =	vpop (erf)  }
0xca: {  	v4 =	vadd.f32 v56, v4;
	v6 =	vadd.f32 v10, v6;
	v10 =	vpop (erf)  }
0xcb: {  	s23 =	sadd.s32 $0x1, s23;
	v7 =	vadd.f32 v11, v7;
	v8 =	vadd.f32 v57, v8;
	v11 =	vpop (erf)  }
0xcc: {  	p0 =	sne.s32 s23, $0x5;
	v1 =	vadd.f32 v58, v1;
	v2 =	vadd.f32 v9, v2;
	v62 =	vpop (erf)  }
.Ltmp2:
0xcd: {  	v9 =	vadd.f32 v59, v3;
	v5 =	vadd.f32 v60, v5;
	v3 =	vpop (erf);
	(pc) =	sbr.rel @p0 .LBB2_2-.Ltmp2, $4  }
0xce: {  	v63 =	vadd.f32 v61, v4;
	v6 =	vadd.f32 v10, v6;
	v10 =	vpop (erf)  }
0xcf: {  	v7 =	vadd.f32 v11, v7;
	v8 =	vadd.f32 v62, v8;
	v11 =	vpop (erf)  }
0xd0: {  	v4 =	vadd.f32 v3, v1;
	v3 =	vadd.f32 v10, v2;
	v1 =	vpop (erf)  }
0xd1: {  	v2 =	vadd.f32 v11, v9;
	v1 =	vadd.f32 v1, v63  }
0xd2: {  	[tilespmem:$0xF080] =	vst v6  }
0xd3: {  	[tilespmem:$0xF090] =	vst v7  }
0xd4: {  	[tilespmem:$0xF0A0] =	vst v8  }
0xd5: {  	[tilespmem:$0xF0B0] =	vst v4  }
0xd6: {  	[tilespmem:$0xF0C0] =	vst v3  }
0xd7: {  	[tilespmem:$0xF0F0] =	vst v5  }
0xd8: {  	[tilespmem:$0xF100] =	vst v6  }
0xd9: {  	[tilespmem:$0xF110] =	vst v7  }
0xda: {  	[tilespmem:$0xF120] =	vst v8  }
0xdb: {  	[tilespmem:$0xF130] =	vst v4  }
0xdc: {  	[tilespmem:$0xF140] =	vst v3  }
0xdd: {  	[tilespmem:$0xF170] =	vst v5  }
0xde: {  	[tilespmem:$0xF180] =	vst v6  }
0xdf: {  	[tilespmem:$0xF190] =	vst v7  }
0xe0: {  	[tilespmem:$0xF1A0] =	vst v8  }
0xe1: {  	[tilespmem:$0xF1B0] =	vst v4  }
0xe2: {  	[tilespmem:$0xF1C0] =	vst v3  }
0xe3: {  	[tilespmem:$0xF1F0] =	vst v5  }
0xe4: {  	[tilespmem:$0xF200] =	vst v6  }
0xe5: {  	[tilespmem:$0xF210] =	vst v7  }
0xe6: {  	[tilespmem:$0xF220] =	vst v8  }
0xe7: {  	[tilespmem:$0xF230] =	vst v4  }
0xe8: {  	[tilespmem:$0xF240] =	vst v3  }
0xe9: {  	[tilespmem:$0xF270] =	vst v5  }
0xea: {  	[tilespmem:$0xF280] =	vst v6  }
0xeb: {  	[tilespmem:$0xF290] =	vst v7  }
0xec: {  	[tilespmem:$0xF2A0] =	vst v8  }
0xed: {  	[tilespmem:$0xF2B0] =	vst v4  }
0xee: {  	[tilespmem:$0xF2C0] =	vst v3  }
0xef: {  	[tilespmem:$0xF2F0] =	vst v5  }
0xf0: {  	[tilespmem:$0xF300] =	vst v6  }
0xf1: {  	[tilespmem:$0xF310] =	vst v7  }
0xf2: {  	[tilespmem:$0xF320] =	vst v8  }
0xf3: {  	[tilespmem:$0xF330] =	vst v4  }
0xf4: {  	[tilespmem:$0xF340] =	vst v3  }
0xf5: {  	[tilespmem:$0xF370] =	vst v5  }
0xf6: {  	[tilespmem:$0xF380] =	vst v6  }
0xf7: {  	[tilespmem:$0xF390] =	vst v7  }
0xf8: {  	[tilespmem:$0xF3A0] =	vst v8  }
0xf9: {  	[tilespmem:$0xF3B0] =	vst v4  }
0xfa: {  	[tilespmem:$0xF3C0] =	vst v3  }
0xfb: {  	[tilespmem:$0xF3F0] =	vst v5  }
0xfc: {  	[tilespmem:$0xF400] =	vst v6  }
0xfd: {  	[tilespmem:$0xF410] =	vst v7  }
0xfe: {  	[tilespmem:$0xF420] =	vst v8  }
0xff: {  	[tilespmem:$0xF430] =	vst v4  }
0x100: {  	[tilespmem:$0xF440] =	vst v3  }
0x101: {  	[tilespmem:$0xF470] =	vst v5  }
0x102: {  	[tilespmem:$0xF0D0] =	vst v2  }
0x103: {  	[tilespmem:$0xF0E0] =	vst v1  }
0x104: {  	[tilespmem:$0xF150] =	vst v2  }
0x105: {  	[tilespmem:$0xF160] =	vst v1  }
0x106: {  	[tilespmem:$0xF1D0] =	vst v2  }
0x107: {  	[tilespmem:$0xF1E0] =	vst v1  }
0x108: {  	[tilespmem:$0xF250] =	vst v2  }
0x109: {  	[tilespmem:$0xF260] =	vst v1  }
0x10a: {  	[tilespmem:$0xF2D0] =	vst v2  }
0x10b: {  	[tilespmem:$0xF2E0] =	vst v1  }
0x10c: {  	[tilespmem:$0xF350] =	vst v2  }
0x10d: {  	[tilespmem:$0xF360] =	vst v1  }
0x10e: {  	[tilespmem:$0xF3D0] =	vst v2  }
0x10f: {  	s22 =	sadd.s32 $0x1, s22;
	[tilespmem:$0xF3E0] =	vst v1  }
0x110: {  	[tilespmem:$0xF450] =	vst v2;
	p0 =	sne.s32 s22, s11  }
.Ltmp3:
0x111: {  	[tilespmem:$0xF460] =	vst v1;
	(pc) =	sbr.rel @p0 .LBB2_1-.Ltmp3, $4  }
0x112: {  	[hbm4b:s10+s4] =	stream.linear.scatter [tilespmem:s21], [sflag:$0x5], $0x400, $0x38;
	[tilespmem:$0xF480] =	vst v63  }
0x113: {  	_ =	swait.ge [sflag:s13], $0x400  }
0x114: {  	[sflag:s13] =	ssyncset.done $0x0  }
0x115: {  	[sflag:s13] =	ssyncadd.s32 $0xFFFFFC00  }
0x116: {  	_ =	sfence.sel $0x180000  }
0x117: {  	[bflag:$0x0] =	sbarrier.arrive $0xFFFF  }
0x118: {  	p0 =	sne.s32 s0, $0x0;
	_ =	strace $0x90000047  }
0x119: {  	s0 =	sadd.s32 @!p0 $0x100000, s2;
	[bflag:$0x2] =	sbarrier.arrive $0xFFFF  }
0x11a: {  	[sflag:s0] =	ssyncadd.tile.s32 @!p0 $0x1;
	_ =	shalt  }
.Lfunc_end2:
_tile_overlayer_lowered:
.L_overlay_start_2:
0x11b: {  	(tag) =	ssettag $0x2  }
0x11c: {  	s0 =	rddreg [dreg:$0x0];
	s2 =	stileid.u32  }
0x11d: {  	s1 =	rddreg [dreg:$0x1];
	p0 =	sne.s32 s2, $0x0  }
0x11e: {  	s3 =	rddreg [dreg:$0x2];
	[bflag:$0x3] =	sbarrier.arrive $0xFFFF;
	s2 =	simm.s32 @!p0 $0x1C05  }
0x11f: {  	[timem:s3], [sflag:s2] =	dma.local @!p0 [hbm:s0], s1  }
0x120: {  	s0 =	simm.s32 @!p0 $0x5  }
0x121: {  	_ =	swait.ge @!p0 [sflag:s0], s1  }
0x122: {  	s1 =	ssub.s32 @!p0 $0x0, s1;
	[sflag:s0] =	ssyncset.done @!p0 $0x0  }
0x123: {  	[sflag:s0] =	ssyncadd.s32 @!p0 s1  }
0x124: {  	[bflag:$0x3] =	sbarrier.arrive $0xFFFF  }
0x125: {  	_ =	shalt  }

</sc_bundles>
